<compile_context>
chip_gen: v7x
topology: tpu7x:2x2x1
jax: 0.10.2.dev20260603
libtpu: 0.0.44.dev20260713+nightly
codegen_flags: <defaults>
</compile_context>

<pallas_src>
import functools

import jax
import jax.numpy as jnp
from jax import lax
from jax.experimental import pallas as pl
from jax.experimental.pallas import tpu as pltpu
from jax.experimental.pallas import tpu_sc as plsc

N = 10000
D = 128
NUM_REL_ROWS = 200
REL_ROWS = NUM_REL_ROWS + 8
ZROW = NUM_REL_ROWS

NC, NS = 2, 16
CH = 128
T_CHUNKS = 160
SB = 80
TOT_CHUNKS = NC * NS * T_CHUNKS
NREAL_CHUNKS = 5000
ACC_ROWS = 10112
ROWS_PER_TILE = ACC_ROWS // NS
NEC = 2500


def _sc_scatter(x, negrel, ei3, et2, zblk):
    mesh = plsc.VectorSubcoreMesh(
        core_axis_name="c", subcore_axis_name="s", num_cores=NC, num_subcores=NS)

    @functools.partial(
        pl.kernel,
        out_type=jax.ShapeDtypeStruct((NC, ACC_ROWS, D), jnp.float32),
        mesh=mesh,
        scratch_types=[
            pltpu.VMEM((SB // 2, CH), jnp.int32),
            pltpu.VMEM((SB // 2, CH), jnp.int32),
            pltpu.VMEM((SB // 2, CH), jnp.int32),
            pltpu.VMEM((CH, D), jnp.float32),
            pltpu.VMEM((CH, D), jnp.float32),
            pltpu.VMEM_SHARED((ACC_ROWS, D), jnp.float32),
            pltpu.VMEM_SHARED((REL_ROWS, D), jnp.float32),
            pltpu.SemaphoreType.DMA,
            pltpu.SemaphoreType.DMA,
        ],
    )
    def k(x_hbm, negrel_hbm, ei_hbm, et_hbm, z_hbm, out_hbm,
          srcv, etv, dstv, rows0, rows1, acc, nrel, sem0, sem1):
        c = lax.axis_index("c")
        s = lax.axis_index("s")
        wid = c * NS + s
        base = wid * T_CHUNKS

        pltpu.sync_copy(z_hbm, rows0)
        for t in range(ROWS_PER_TILE // CH):
            pltpu.sync_copy(rows0,
                            acc.at[pl.ds(s * ROWS_PER_TILE + t * CH, CH)])
        pltpu.sync_copy(
            rows0.at[pl.ds(0, ROWS_PER_TILE % CH)],
            acc.at[pl.ds(s * ROWS_PER_TILE + (ROWS_PER_TILE // CH) * CH,
                         ROWS_PER_TILE % CH)])

        @pl.when(s == 0)
        def _():
            pltpu.sync_copy(negrel_hbm, nrel)

        plsc.subcore_barrier()

        rows = (rows0, rows1)
        sems = (sem0, sem1)
        gtab = (srcv, etv)

        def issue_gather(stage_base, q, b):
            @pl.when(stage_base + 2 * q + b < NREAL_CHUNKS)
            def _():
                tbl = x_hbm if b == 0 else nrel
                pltpu.async_copy(tbl.at[gtab[b].at[q]], rows[b], sems[b])

        @pl.loop(0, T_CHUNKS // SB)
        def _stage(j):
            stage_base = base + j * SB

            @pl.when(stage_base < NREAL_CHUNKS)
            def _():
                pair_base = wid * (T_CHUNKS // 2) + j * (SB // 2)
                pltpu.sync_copy(ei_hbm.at[0, pl.ds(pair_base, SB // 2)], srcv)
                pltpu.sync_copy(et_hbm.at[pl.ds(pair_base, SB // 2)], etv)
                pltpu.sync_copy(ei_hbm.at[1, pl.ds(pair_base, SB // 2)], dstv)
                issue_gather(stage_base, 0, 0)
                issue_gather(stage_base, 0, 1)

                @pl.loop(0, SB // 2)
                def _pair(q):
                    for b in range(2):
                        @pl.when(stage_base + 2 * q + b < NREAL_CHUNKS)
                        def _():
                            pltpu.make_async_copy(
                                x_hbm.at[pl.ds(0, CH)], rows[b],
                                sems[b]).wait()
                            pltpu.sync_copy(rows[b], acc.at[dstv.at[q]],
                                            add=True)

                            @pl.when(q + 1 < SB // 2)
                            def _():
                                issue_gather(stage_base, q + 1, b)

        plsc.subcore_barrier()
        pltpu.sync_copy(
            acc.at[pl.ds(s * ROWS_PER_TILE, ROWS_PER_TILE)],
            out_hbm.at[c, pl.ds(s * ROWS_PER_TILE, ROWS_PER_TILE)])

    return k(x, negrel, ei3, et2, zblk)


def _tc_matmuls(x, acc, weight, bias2d, rel_pad, rel_weight):
    BM = 1000

    def body(x_ref, a0_ref, a1_ref, w_ref, b_ref, r_ref, rw_ref,
             o_ref, ro_ref):
        s = x_ref[...] + a0_ref[0] + a1_ref[0]
        o_ref[...] = jnp.dot(s, w_ref[...],
                             preferred_element_type=jnp.float32) + b_ref[...]
        ro_ref[...] = jnp.dot(r_ref[...], rw_ref[...],
                              preferred_element_type=jnp.float32)

    return pl.pallas_call(
        body,
        grid=(N // BM,),
        in_specs=[
            pl.BlockSpec((BM, D), lambda i: (i, 0)),
            pl.BlockSpec((1, BM, D), lambda i: (0, i, 0)),
            pl.BlockSpec((1, BM, D), lambda i: (1, i, 0)),
            pl.BlockSpec((D, D), lambda i: (0, 0)),
            pl.BlockSpec((1, D), lambda i: (0, 0)),
            pl.BlockSpec((208, D), lambda i: (0, 0)),
            pl.BlockSpec((D, D), lambda i: (0, 0)),
        ],
        out_specs=[
            pl.BlockSpec((BM, D), lambda i: (i, 0)),
            pl.BlockSpec((208, D), lambda i: (0, 0)),
        ],
        out_shape=[
            jax.ShapeDtypeStruct((N, D), jnp.float32),
            jax.ShapeDtypeStruct((208, D), jnp.float32),
        ],
    )(x, acc, acc, weight, bias2d, rel_pad, rel_weight)


def kernel(x, edge_index, edge_type, rel_embed, weight, rel_weight, bias):
    negrel = jnp.concatenate(
        [-rel_embed, jnp.zeros((REL_ROWS - NUM_REL_ROWS, D), jnp.float32)])

    ei3 = edge_index.reshape(2, NEC, CH)
    et2 = edge_type.reshape(NEC, CH)
    zblk = jnp.zeros((CH, D), jnp.float32)
    acc = _sc_scatter(x, negrel, ei3, et2, zblk)

    rel_pad = jnp.concatenate([rel_embed, jnp.zeros((8, D), jnp.float32)])
    out, rel_out = _tc_matmuls(x, acc, weight, bias.reshape(1, D),
                               rel_pad, rel_weight)
    return (out, rel_out[:NUM_REL_ROWS + 1])

# --- scband reference (transcript-rebuilt; emitter-appended) ---
"""Pipeline reference for scband-comp-gcnconv-5368709120467 (READ-ONLY COPY).

The authoritative reference and input builder live on the scoring server;
editing this copy changes nothing except your own understanding.
"""

import jax, jax.numpy as jnp
import numpy as np

N = 10000
E = 320000
D_IN = 128
D_OUT = 128
NUM_RELS = 100
NUM_REL_ROWS = 2 * NUM_RELS  # rel_embed rows; self-loop type index == NUM_REL_ROWS after concat


def _xavier(key, shape):
    fan_in, fan_out = shape[0], shape[1]
    limit = float(np.sqrt(6.0 / (fan_in + fan_out)))
    return jax.random.uniform(key, shape, dtype=jnp.float32, minval=-limit, maxval=limit)


def setup_inputs(seed: int = 0) -> dict:
    key = jax.random.key(seed)
    ks = jax.random.split(key, 6)
    x = jax.random.normal(ks[0], (N, D_IN), dtype=jnp.float32)
    edge_index = jax.random.randint(ks[1], (2, E), 0, N, dtype=jnp.int32)
    edge_type = jax.random.randint(ks[2], (E,), 0, NUM_REL_ROWS, dtype=jnp.int32)
    rel_embed = jax.random.normal(ks[3], (NUM_REL_ROWS, D_IN), dtype=jnp.float32)
    weight = _xavier(ks[4], (D_IN, D_OUT))
    rel_weight = _xavier(ks[5], (D_IN, D_OUT))
    bias = jnp.zeros((D_OUT,), dtype=jnp.float32)
    return {
        "x": x,
        "edge_index": edge_index,
        "edge_type": edge_type,
        "rel_embed": rel_embed,
        "weight": weight,
        "rel_weight": rel_weight,
        "bias": bias,
    }


def reference(x, edge_index, edge_type, rel_embed, weight, rel_weight, bias):
    num_nodes = x.shape[0]
    self_loop = jnp.arange(num_nodes, dtype=edge_index.dtype)
    self_loop_edge = jnp.stack([self_loop, self_loop], axis=0)
    self_loop_type = jnp.full((num_nodes,), NUM_REL_ROWS, dtype=edge_type.dtype)
    ei = jnp.concatenate([edge_index, self_loop_edge], axis=1)
    et = jnp.concatenate([edge_type, self_loop_type], axis=0)
    rel = jnp.concatenate([rel_embed, jnp.zeros((1, rel_embed.shape[1]), dtype=rel_embed.dtype)], axis=0)
    # gather
    h = jnp.take(x, ei[0], axis=0)
    r = jnp.take(rel, et, axis=0)
    # composition op: 'sub'
    msg = h - r
    # scatter-add to destination nodes
    out = jnp.zeros_like(x).at[ei[1]].add(msg)
    out = out @ weight
    out = out + bias
    # act is identity; dropout p=0.0 is identity
    rel_out = rel @ rel_weight
    return (out, rel_out)

if __name__ == "__main__":
    import jax
    _d = setup_inputs()
    print(jax.jit(kernel)(*tuple(_d.values())))

</pallas_src>

<mosaic_0001>
#map = affine_map<(d0, d1) -> (0, 0)>
#map1 = affine_map<(d0, d1) -> (0, 0, 0)>
module attributes {stable_mosaic.version = 14 : i64} {
  func.func @k(%arg0: i32, %arg1: i32, %arg2: memref<10000x128xf32, #tpu.memory_space<hbm>>, %arg3: memref<208x128xf32, #tpu.memory_space<hbm>>, %arg4: memref<2x2500x128xi32, #tpu.memory_space<hbm>>, %arg5: memref<2500x128xi32, #tpu.memory_space<hbm>>, %arg6: memref<128x128xf32, #tpu.memory_space<hbm>>, %arg7: memref<2x10112x128xf32, #tpu.memory_space<hbm>>, %arg8: memref<40x128xi32, #tpu.memory_space<vmem>>, %arg9: memref<40x128xi32, #tpu.memory_space<vmem>>, %arg10: memref<40x128xi32, #tpu.memory_space<vmem>>, %arg11: memref<128x128xf32, #tpu.memory_space<vmem>>, %arg12: memref<128x128xf32, #tpu.memory_space<vmem>>, %arg13: memref<10112x128xf32, #tpu.memory_space<vmem_shared>>, %arg14: memref<208x128xf32, #tpu.memory_space<vmem_shared>>, %arg15: memref<!tpu.dma_semaphore, #tpu.memory_space<semaphore_mem>>, %arg16: memref<!tpu.dma_semaphore, #tpu.memory_space<semaphore_mem>>) attributes {dimension_semantics = [#tpu.dimension_semantics<core_parallel>, #tpu.dimension_semantics<subcore_parallel>], iteration_bounds = array<i64: 2, 16>, scalar_prefetch = 0 : i64, scratch_operands = 9 : i64, tpu.core_type = #tpu.core_type<sc_vector_subcore>, window_params = [{transform_indices = #map}, {transform_indices = #map}, {transform_indices = #map1}, {transform_indices = #map}, {transform_indices = #map}, {transform_indices = #map1}]} {
    %mul3A = arith.constant 16 : i32
    %mul3A_0 = arith.muli %arg0, %mul3A : i32
    %add3A = arith.addi %mul3A_0, %arg1 : i32
    %mul3A_1 = arith.constant 160 : i32
    %mul3A_2 = arith.muli %add3A, %mul3A_1 : i32
    "tpu.region"() ({
      %run_scoped3A = tpu.sem_alloc : memref<!tpu.dma_semaphore, #tpu.memory_space<semaphore_mem>>
      tpu.enqueue_dma source(%arg6 : memref<128x128xf32, #tpu.memory_space<hbm>>) target(%arg11 : memref<128x128xf32, #tpu.memory_space<vmem>>) target_semaphore(%run_scoped3A : memref<!tpu.dma_semaphore, #tpu.memory_space<semaphore_mem>>)
      tpu.wait_dma2 semaphore(%run_scoped3A : memref<!tpu.dma_semaphore, #tpu.memory_space<semaphore_mem>>) src(%arg6 : memref<128x128xf32, #tpu.memory_space<hbm>>) dst(%arg11 : memref<128x128xf32, #tpu.memory_space<vmem>>)
      tpu.yield
    }) : () -> ()
    %mul3A_3 = arith.constant 632 : i32
    %mul3A_4 = arith.muli %arg1, %mul3A_3 : i32
    %add3A_5 = arith.constant 0 : i32
    %add3A_6 = arith.addi %mul3A_4, %add3A_5 : i32
    "tpu.region"() ({
      %run_scoped3A = tpu.sem_alloc : memref<!tpu.dma_semaphore, #tpu.memory_space<semaphore_mem>>
      %dma_start3A = arith.constant 0 : i32
      %dma_start3A_34 = tpu.memref_slice %arg13[%add3A_6, %dma_start3A] : memref<10112x128xf32, #tpu.memory_space<vmem_shared>> -> memref<128x128xf32, #tpu.memory_space<vmem_shared>>
      %dma_start3A_35 = arith.constant 0 : i32
      %dma_start3A_36 = tpu.memref_slice %arg13[%add3A_6, %dma_start3A_35] : memref<10112x128xf32, #tpu.memory_space<vmem_shared>> -> memref<128x128xf32, #tpu.memory_space<vmem_shared>>
      tpu.enqueue_dma source(%arg11 : memref<128x128xf32, #tpu.memory_space<vmem>>) target(%dma_start3A_36 : memref<128x128xf32, #tpu.memory_space<vmem_shared>>) target_semaphore(%run_scoped3A : memref<!tpu.dma_semaphore, #tpu.memory_space<semaphore_mem>>)
      %dma_wait3A = arith.constant 0 : i32
      %dma_wait3A_37 = tpu.memref_slice %arg13[%add3A_6, %dma_wait3A] : memref<10112x128xf32, #tpu.memory_space<vmem_shared>> -> memref<128x128xf32, #tpu.memory_space<vmem_shared>>
      %dma_wait3A_38 = arith.constant 0 : i32
      %dma_wait3A_39 = tpu.memref_slice %arg13[%add3A_6, %dma_wait3A_38] : memref<10112x128xf32, #tpu.memory_space<vmem_shared>> -> memref<128x128xf32, #tpu.memory_space<vmem_shared>>
      tpu.wait_dma2 semaphore(%run_scoped3A : memref<!tpu.dma_semaphore, #tpu.memory_space<semaphore_mem>>) src(%arg11 : memref<128x128xf32, #tpu.memory_space<vmem>>) dst(%dma_wait3A_39 : memref<128x128xf32, #tpu.memory_space<vmem_shared>>)
      tpu.yield
    }) : () -> ()
    %mul3A_7 = arith.constant 632 : i32
    %mul3A_8 = arith.muli %arg1, %mul3A_7 : i32
    %add3A_9 = arith.constant 128 : i32
    %add3A_10 = arith.addi %mul3A_8, %add3A_9 : i32
    "tpu.region"() ({
      %run_scoped3A = tpu.sem_alloc : memref<!tpu.dma_semaphore, #tpu.memory_space<semaphore_mem>>
      %dma_start3A = arith.constant 0 : i32
      %dma_start3A_34 = tpu.memref_slice %arg13[%add3A_10, %dma_start3A] : memref<10112x128xf32, #tpu.memory_space<vmem_shared>> -> memref<128x128xf32, #tpu.memory_space<vmem_shared>>
      %dma_start3A_35 = arith.constant 0 : i32
      %dma_start3A_36 = tpu.memref_slice %arg13[%add3A_10, %dma_start3A_35] : memref<10112x128xf32, #tpu.memory_space<vmem_shared>> -> memref<128x128xf32, #tpu.memory_space<vmem_shared>>
      tpu.enqueue_dma source(%arg11 : memref<128x128xf32, #tpu.memory_space<vmem>>) target(%dma_start3A_36 : memref<128x128xf32, #tpu.memory_space<vmem_shared>>) target_semaphore(%run_scoped3A : memref<!tpu.dma_semaphore, #tpu.memory_space<semaphore_mem>>)
      %dma_wait3A = arith.constant 0 : i32
      %dma_wait3A_37 = tpu.memref_slice %arg13[%add3A_10, %dma_wait3A] : memref<10112x128xf32, #tpu.memory_space<vmem_shared>> -> memref<128x128xf32, #tpu.memory_space<vmem_shared>>
      %dma_wait3A_38 = arith.constant 0 : i32
      %dma_wait3A_39 = tpu.memref_slice %arg13[%add3A_10, %dma_wait3A_38] : memref<10112x128xf32, #tpu.memory_space<vmem_shared>> -> memref<128x128xf32, #tpu.memory_space<vmem_shared>>
      tpu.wait_dma2 semaphore(%run_scoped3A : memref<!tpu.dma_semaphore, #tpu.memory_space<semaphore_mem>>) src(%arg11 : memref<128x128xf32, #tpu.memory_space<vmem>>) dst(%dma_wait3A_39 : memref<128x128xf32, #tpu.memory_space<vmem_shared>>)
      tpu.yield
    }) : () -> ()
    %mul3A_11 = arith.constant 632 : i32
    %mul3A_12 = arith.muli %arg1, %mul3A_11 : i32
    %add3A_13 = arith.constant 256 : i32
    %add3A_14 = arith.addi %mul3A_12, %add3A_13 : i32
    "tpu.region"() ({
      %run_scoped3A = tpu.sem_alloc : memref<!tpu.dma_semaphore, #tpu.memory_space<semaphore_mem>>
      %dma_start3A = arith.constant 0 : i32
      %dma_start3A_34 = tpu.memref_slice %arg13[%add3A_14, %dma_start3A] : memref<10112x128xf32, #tpu.memory_space<vmem_shared>> -> memref<128x128xf32, #tpu.memory_space<vmem_shared>>
      %dma_start3A_35 = arith.constant 0 : i32
      %dma_start3A_36 = tpu.memref_slice %arg13[%add3A_14, %dma_start3A_35] : memref<10112x128xf32, #tpu.memory_space<vmem_shared>> -> memref<128x128xf32, #tpu.memory_space<vmem_shared>>
      tpu.enqueue_dma source(%arg11 : memref<128x128xf32, #tpu.memory_space<vmem>>) target(%dma_start3A_36 : memref<128x128xf32, #tpu.memory_space<vmem_shared>>) target_semaphore(%run_scoped3A : memref<!tpu.dma_semaphore, #tpu.memory_space<semaphore_mem>>)
      %dma_wait3A = arith.constant 0 : i32
      %dma_wait3A_37 = tpu.memref_slice %arg13[%add3A_14, %dma_wait3A] : memref<10112x128xf32, #tpu.memory_space<vmem_shared>> -> memref<128x128xf32, #tpu.memory_space<vmem_shared>>
      %dma_wait3A_38 = arith.constant 0 : i32
      %dma_wait3A_39 = tpu.memref_slice %arg13[%add3A_14, %dma_wait3A_38] : memref<10112x128xf32, #tpu.memory_space<vmem_shared>> -> memref<128x128xf32, #tpu.memory_space<vmem_shared>>
      tpu.wait_dma2 semaphore(%run_scoped3A : memref<!tpu.dma_semaphore, #tpu.memory_space<semaphore_mem>>) src(%arg11 : memref<128x128xf32, #tpu.memory_space<vmem>>) dst(%dma_wait3A_39 : memref<128x128xf32, #tpu.memory_space<vmem_shared>>)
      tpu.yield
    }) : () -> ()
    %mul3A_15 = arith.constant 632 : i32
    %mul3A_16 = arith.muli %arg1, %mul3A_15 : i32
    %add3A_17 = arith.constant 384 : i32
    %add3A_18 = arith.addi %mul3A_16, %add3A_17 : i32
    "tpu.region"() ({
      %run_scoped3A = tpu.sem_alloc : memref<!tpu.dma_semaphore, #tpu.memory_space<semaphore_mem>>
      %dma_start3A = arith.constant 0 : i32
      %dma_start3A_34 = tpu.memref_slice %arg13[%add3A_18, %dma_start3A] : memref<10112x128xf32, #tpu.memory_space<vmem_shared>> -> memref<128x128xf32, #tpu.memory_space<vmem_shared>>
      %dma_start3A_35 = arith.constant 0 : i32
      %dma_start3A_36 = tpu.memref_slice %arg13[%add3A_18, %dma_start3A_35] : memref<10112x128xf32, #tpu.memory_space<vmem_shared>> -> memref<128x128xf32, #tpu.memory_space<vmem_shared>>
      tpu.enqueue_dma source(%arg11 : memref<128x128xf32, #tpu.memory_space<vmem>>) target(%dma_start3A_36 : memref<128x128xf32, #tpu.memory_space<vmem_shared>>) target_semaphore(%run_scoped3A : memref<!tpu.dma_semaphore, #tpu.memory_space<semaphore_mem>>)
      %dma_wait3A = arith.constant 0 : i32
      %dma_wait3A_37 = tpu.memref_slice %arg13[%add3A_18, %dma_wait3A] : memref<10112x128xf32, #tpu.memory_space<vmem_shared>> -> memref<128x128xf32, #tpu.memory_space<vmem_shared>>
      %dma_wait3A_38 = arith.constant 0 : i32
      %dma_wait3A_39 = tpu.memref_slice %arg13[%add3A_18, %dma_wait3A_38] : memref<10112x128xf32, #tpu.memory_space<vmem_shared>> -> memref<128x128xf32, #tpu.memory_space<vmem_shared>>
      tpu.wait_dma2 semaphore(%run_scoped3A : memref<!tpu.dma_semaphore, #tpu.memory_space<semaphore_mem>>) src(%arg11 : memref<128x128xf32, #tpu.memory_space<vmem>>) dst(%dma_wait3A_39 : memref<128x128xf32, #tpu.memory_space<vmem_shared>>)
      tpu.yield
    }) : () -> ()
    %mul3A_19 = arith.constant 632 : i32
    %mul3A_20 = arith.muli %arg1, %mul3A_19 : i32
    %add3A_21 = arith.constant 512 : i32
    %add3A_22 = arith.addi %mul3A_20, %add3A_21 : i32
    "tpu.region"() ({
      %run_scoped3A = tpu.sem_alloc : memref<!tpu.dma_semaphore, #tpu.memory_space<semaphore_mem>>
      %dma_start3A = arith.constant 0 : i32
      %dma_start3A_34 = arith.constant 0 : i32
      %dma_start3A_35 = tpu.memref_slice %arg11[%dma_start3A, %dma_start3A_34] : memref<128x128xf32, #tpu.memory_space<vmem>> -> memref<120x128xf32, #tpu.memory_space<vmem>>
      %dma_start3A_36 = arith.constant 0 : i32
      %dma_start3A_37 = tpu.memref_slice %arg13[%add3A_22, %dma_start3A_36] : memref<10112x128xf32, #tpu.memory_space<vmem_shared>> -> memref<120x128xf32, #tpu.memory_space<vmem_shared>>
      %dma_start3A_38 = arith.constant 0 : i32
      %dma_start3A_39 = tpu.memref_slice %arg13[%add3A_22, %dma_start3A_38] : memref<10112x128xf32, #tpu.memory_space<vmem_shared>> -> memref<120x128xf32, #tpu.memory_space<vmem_shared>>
      %dma_start3A_40 = arith.constant 0 : i32
      %dma_start3A_41 = arith.constant 0 : i32
      %dma_start3A_42 = tpu.memref_slice %arg11[%dma_start3A_40, %dma_start3A_41] : memref<128x128xf32, #tpu.memory_space<vmem>> -> memref<120x128xf32, #tpu.memory_space<vmem>>
      tpu.enqueue_dma source(%dma_start3A_42 : memref<120x128xf32, #tpu.memory_space<vmem>>) target(%dma_start3A_39 : memref<120x128xf32, #tpu.memory_space<vmem_shared>>) target_semaphore(%run_scoped3A : memref<!tpu.dma_semaphore, #tpu.memory_space<semaphore_mem>>)
      %dma_wait3A = arith.constant 0 : i32
      %dma_wait3A_43 = arith.constant 0 : i32
      %dma_wait3A_44 = tpu.memref_slice %arg11[%dma_wait3A, %dma_wait3A_43] : memref<128x128xf32, #tpu.memory_space<vmem>> -> memref<120x128xf32, #tpu.memory_space<vmem>>
      %dma_wait3A_45 = arith.constant 0 : i32
      %dma_wait3A_46 = tpu.memref_slice %arg13[%add3A_22, %dma_wait3A_45] : memref<10112x128xf32, #tpu.memory_space<vmem_shared>> -> memref<120x128xf32, #tpu.memory_space<vmem_shared>>
      %dma_wait3A_47 = arith.constant 0 : i32
      %dma_wait3A_48 = tpu.memref_slice %arg13[%add3A_22, %dma_wait3A_47] : memref<10112x128xf32, #tpu.memory_space<vmem_shared>> -> memref<120x128xf32, #tpu.memory_space<vmem_shared>>
      %dma_wait3A_49 = arith.constant 0 : i32
      %dma_wait3A_50 = arith.constant 0 : i32
      %dma_wait3A_51 = tpu.memref_slice %arg11[%dma_wait3A_49, %dma_wait3A_50] : memref<128x128xf32, #tpu.memory_space<vmem>> -> memref<120x128xf32, #tpu.memory_space<vmem>>
      tpu.wait_dma2 semaphore(%run_scoped3A : memref<!tpu.dma_semaphore, #tpu.memory_space<semaphore_mem>>) src(%dma_wait3A_51 : memref<120x128xf32, #tpu.memory_space<vmem>>) dst(%dma_wait3A_48 : memref<120x128xf32, #tpu.memory_space<vmem_shared>>)
      tpu.yield
    }) : () -> ()
    %eq3A = arith.constant 0 : i32
    %eq3A_23 = arith.cmpi eq, %arg1, %eq3A : i32
    %convert_element_type3A = arith.extui %eq3A_23 : i1 to i32
    %cond3A = arith.constant 0 : i32
    %cond3A_24 = arith.cmpi ne, %convert_element_type3A, %cond3A : i32
    scf.if %cond3A_24 {
      "tpu.region"() ({
        %run_scoped3A = tpu.sem_alloc : memref<!tpu.dma_semaphore, #tpu.memory_space<semaphore_mem>>
        tpu.enqueue_dma source(%arg3 : memref<208x128xf32, #tpu.memory_space<hbm>>) target(%arg14 : memref<208x128xf32, #tpu.memory_space<vmem_shared>>) target_semaphore(%run_scoped3A : memref<!tpu.dma_semaphore, #tpu.memory_space<semaphore_mem>>)
        tpu.wait_dma2 semaphore(%run_scoped3A : memref<!tpu.dma_semaphore, #tpu.memory_space<semaphore_mem>>) src(%arg3 : memref<208x128xf32, #tpu.memory_space<hbm>>) dst(%arg14 : memref<208x128xf32, #tpu.memory_space<vmem_shared>>)
        tpu.yield
      }) : () -> ()
    } else {
    }
    %barrier3A = arith.constant 0 : index
    tpu.barrier barrier_id(%barrier3A)
    %scan3A = arith.constant 0 : i32
    %scan3A_25 = arith.constant 2 : i32
    %scan3A_26 = arith.addi %scan3A, %scan3A_25 : i32
    %scan3A_27 = arith.constant 1 : i32
    scf.for %scan3A_34 = %scan3A to %scan3A_26 step %scan3A_27  : i32 {
      %mul3A_35 = arith.constant 1 : i32
      %mul3A_36 = arith.muli %scan3A_34, %mul3A_35 : i32
      %add3A_37 = arith.constant 0 : i32
      %add3A_38 = arith.addi %add3A_37, %mul3A_36 : i32
      %mul3A_39 = arith.constant 80 : i32
      %mul3A_40 = arith.muli %add3A_38, %mul3A_39 : i32
      %add3A_41 = arith.addi %mul3A_2, %mul3A_40 : i32
      %lt3A = arith.constant 5000 : i32
      %lt3A_42 = arith.cmpi slt, %add3A_41, %lt3A : i32
      %convert_element_type3A_43 = arith.extui %lt3A_42 : i1 to i32
      %cond3A_44 = arith.constant 0 : i32
      %cond3A_45 = arith.cmpi ne, %convert_element_type3A_43, %cond3A_44 : i32
      scf.if %cond3A_45 {
        %mul3A_46 = arith.constant 80 : i32
        %mul3A_47 = arith.muli %add3A, %mul3A_46 : i32
        %mul3A_48 = arith.constant 40 : i32
        %mul3A_49 = arith.muli %add3A_38, %mul3A_48 : i32
        %add3A_50 = arith.addi %mul3A_47, %mul3A_49 : i32
        %run_scoped3A = arith.constant 0 : i32
        "tpu.region"() ({
          %run_scoped3A_75 = tpu.sem_alloc : memref<!tpu.dma_semaphore, #tpu.memory_space<semaphore_mem>>
          %dma_start3A = arith.constant 0 : i32
          %dma_start3A_76 = tpu.memref_slice %arg4[%run_scoped3A, %add3A_50, %dma_start3A] : memref<2x2500x128xi32, #tpu.memory_space<hbm>> -> memref<1x40x128xi32, #tpu.memory_space<hbm>>
          %dma_start3A_77 = tpu.memref_squeeze %dma_start3A_76 : memref<1x40x128xi32, #tpu.memory_space<hbm>> -> memref<40x128xi32, #tpu.memory_space<hbm>>
          %dma_start3A_78 = arith.constant 0 : i32
          %dma_start3A_79 = tpu.memref_slice %arg4[%run_scoped3A, %add3A_50, %dma_start3A_78] : memref<2x2500x128xi32, #tpu.memory_space<hbm>> -> memref<1x40x128xi32, #tpu.memory_space<hbm>>
          %dma_start3A_80 = tpu.memref_squeeze %dma_start3A_79 : memref<1x40x128xi32, #tpu.memory_space<hbm>> -> memref<40x128xi32, #tpu.memory_space<hbm>>
          tpu.enqueue_dma source(%dma_start3A_80 : memref<40x128xi32, #tpu.memory_space<hbm>>) target(%arg8 : memref<40x128xi32, #tpu.memory_space<vmem>>) target_semaphore(%run_scoped3A_75 : memref<!tpu.dma_semaphore, #tpu.memory_space<semaphore_mem>>)
          %dma_wait3A = arith.constant 0 : i32
          %dma_wait3A_81 = tpu.memref_slice %arg4[%run_scoped3A, %add3A_50, %dma_wait3A] : memref<2x2500x128xi32, #tpu.memory_space<hbm>> -> memref<1x40x128xi32, #tpu.memory_space<hbm>>
          %dma_wait3A_82 = tpu.memref_squeeze %dma_wait3A_81 : memref<1x40x128xi32, #tpu.memory_space<hbm>> -> memref<40x128xi32, #tpu.memory_space<hbm>>
          %dma_wait3A_83 = arith.constant 0 : i32
          %dma_wait3A_84 = tpu.memref_slice %arg4[%run_scoped3A, %add3A_50, %dma_wait3A_83] : memref<2x2500x128xi32, #tpu.memory_space<hbm>> -> memref<1x40x128xi32, #tpu.memory_space<hbm>>
          %dma_wait3A_85 = tpu.memref_squeeze %dma_wait3A_84 : memref<1x40x128xi32, #tpu.memory_space<hbm>> -> memref<40x128xi32, #tpu.memory_space<hbm>>
          tpu.wait_dma2 semaphore(%run_scoped3A_75 : memref<!tpu.dma_semaphore, #tpu.memory_space<semaphore_mem>>) src(%dma_wait3A_85 : memref<40x128xi32, #tpu.memory_space<hbm>>) dst(%arg8 : memref<40x128xi32, #tpu.memory_space<vmem>>)
          tpu.yield
        }) : () -> ()
        "tpu.region"() ({
          %run_scoped3A_75 = tpu.sem_alloc : memref<!tpu.dma_semaphore, #tpu.memory_space<semaphore_mem>>
          %dma_start3A = arith.constant 0 : i32
          %dma_start3A_76 = tpu.memref_slice %arg5[%add3A_50, %dma_start3A] : memref<2500x128xi32, #tpu.memory_space<hbm>> -> memref<40x128xi32, #tpu.memory_space<hbm>>
          %dma_start3A_77 = arith.constant 0 : i32
          %dma_start3A_78 = tpu.memref_slice %arg5[%add3A_50, %dma_start3A_77] : memref<2500x128xi32, #tpu.memory_space<hbm>> -> memref<40x128xi32, #tpu.memory_space<hbm>>
          tpu.enqueue_dma source(%dma_start3A_78 : memref<40x128xi32, #tpu.memory_space<hbm>>) target(%arg9 : memref<40x128xi32, #tpu.memory_space<vmem>>) target_semaphore(%run_scoped3A_75 : memref<!tpu.dma_semaphore, #tpu.memory_space<semaphore_mem>>)
          %dma_wait3A = arith.constant 0 : i32
          %dma_wait3A_79 = tpu.memref_slice %arg5[%add3A_50, %dma_wait3A] : memref<2500x128xi32, #tpu.memory_space<hbm>> -> memref<40x128xi32, #tpu.memory_space<hbm>>
          %dma_wait3A_80 = arith.constant 0 : i32
          %dma_wait3A_81 = tpu.memref_slice %arg5[%add3A_50, %dma_wait3A_80] : memref<2500x128xi32, #tpu.memory_space<hbm>> -> memref<40x128xi32, #tpu.memory_space<hbm>>
          tpu.wait_dma2 semaphore(%run_scoped3A_75 : memref<!tpu.dma_semaphore, #tpu.memory_space<semaphore_mem>>) src(%dma_wait3A_81 : memref<40x128xi32, #tpu.memory_space<hbm>>) dst(%arg9 : memref<40x128xi32, #tpu.memory_space<vmem>>)
          tpu.yield
        }) : () -> ()
        %run_scoped3A_51 = arith.constant 1 : i32
        "tpu.region"() ({
          %run_scoped3A_75 = tpu.sem_alloc : memref<!tpu.dma_semaphore, #tpu.memory_space<semaphore_mem>>
          %dma_start3A = arith.constant 0 : i32
          %dma_start3A_76 = tpu.memref_slice %arg4[%run_scoped3A_51, %add3A_50, %dma_start3A] : memref<2x2500x128xi32, #tpu.memory_space<hbm>> -> memref<1x40x128xi32, #tpu.memory_space<hbm>>
          %dma_start3A_77 = tpu.memref_squeeze %dma_start3A_76 : memref<1x40x128xi32, #tpu.memory_space<hbm>> -> memref<40x128xi32, #tpu.memory_space<hbm>>
          %dma_start3A_78 = arith.constant 0 : i32
          %dma_start3A_79 = tpu.memref_slice %arg4[%run_scoped3A_51, %add3A_50, %dma_start3A_78] : memref<2x2500x128xi32, #tpu.memory_space<hbm>> -> memref<1x40x128xi32, #tpu.memory_space<hbm>>
          %dma_start3A_80 = tpu.memref_squeeze %dma_start3A_79 : memref<1x40x128xi32, #tpu.memory_space<hbm>> -> memref<40x128xi32, #tpu.memory_space<hbm>>
          tpu.enqueue_dma source(%dma_start3A_80 : memref<40x128xi32, #tpu.memory_space<hbm>>) target(%arg10 : memref<40x128xi32, #tpu.memory_space<vmem>>) target_semaphore(%run_scoped3A_75 : memref<!tpu.dma_semaphore, #tpu.memory_space<semaphore_mem>>)
          %dma_wait3A = arith.constant 0 : i32
          %dma_wait3A_81 = tpu.memref_slice %arg4[%run_scoped3A_51, %add3A_50, %dma_wait3A] : memref<2x2500x128xi32, #tpu.memory_space<hbm>> -> memref<1x40x128xi32, #tpu.memory_space<hbm>>
          %dma_wait3A_82 = tpu.memref_squeeze %dma_wait3A_81 : memref<1x40x128xi32, #tpu.memory_space<hbm>> -> memref<40x128xi32, #tpu.memory_space<hbm>>
          %dma_wait3A_83 = arith.constant 0 : i32
          %dma_wait3A_84 = tpu.memref_slice %arg4[%run_scoped3A_51, %add3A_50, %dma_wait3A_83] : memref<2x2500x128xi32, #tpu.memory_space<hbm>> -> memref<1x40x128xi32, #tpu.memory_space<hbm>>
          %dma_wait3A_85 = tpu.memref_squeeze %dma_wait3A_84 : memref<1x40x128xi32, #tpu.memory_space<hbm>> -> memref<40x128xi32, #tpu.memory_space<hbm>>
          tpu.wait_dma2 semaphore(%run_scoped3A_75 : memref<!tpu.dma_semaphore, #tpu.memory_space<semaphore_mem>>) src(%dma_wait3A_85 : memref<40x128xi32, #tpu.memory_space<hbm>>) dst(%arg10 : memref<40x128xi32, #tpu.memory_space<vmem>>)
          tpu.yield
        }) : () -> ()
        %add3A_52 = arith.constant 0 : i32
        %add3A_53 = arith.addi %add3A_41, %add3A_52 : i32
        %add3A_54 = arith.constant 0 : i32
        %add3A_55 = arith.addi %add3A_53, %add3A_54 : i32
        %lt3A_56 = arith.constant 5000 : i32
        %lt3A_57 = arith.cmpi slt, %add3A_55, %lt3A_56 : i32
        %convert_element_type3A_58 = arith.extui %lt3A_57 : i1 to i32
        %cond3A_59 = arith.constant 0 : i32
        %cond3A_60 = arith.cmpi ne, %convert_element_type3A_58, %cond3A_59 : i32
        scf.if %cond3A_60 {
          %dma_start3A = arith.constant 0 : i32
          %dma_start3A_75 = arith.constant 0 : i32
          %dma_start3A_76 = tpu.memref_slice %arg8[%dma_start3A, %dma_start3A_75] : memref<40x128xi32, #tpu.memory_space<vmem>> -> memref<1x128xi32, #tpu.memory_space<vmem>>
          %dma_start3A_77 = tpu.memref_squeeze %dma_start3A_76 : memref<1x128xi32, #tpu.memory_space<vmem>> -> memref<128xi32, #tpu.memory_space<vmem>>
          %dma_start3A_78 = arith.constant 0 : i32
          %dma_start3A_79 = arith.constant 0 : i32
          %dma_start3A_80 = tpu.memref_slice %arg2[%dma_start3A_78, %dma_start3A_79] : memref<10000x128xf32, #tpu.memory_space<hbm>> -> memref<10000x128xf32, #tpu.memory_space<hbm>>
          tpu.enqueue_indirect_dma source(%dma_start3A_80 : memref<10000x128xf32, #tpu.memory_space<hbm>>) target(%arg11 : memref<128x128xf32, #tpu.memory_space<vmem>>) offsets(%dma_start3A_77 : memref<128xi32, #tpu.memory_space<vmem>>) semaphore(%arg15 : memref<!tpu.dma_semaphore, #tpu.memory_space<semaphore_mem>>)
        } else {
        }
        %add3A_61 = arith.constant 0 : i32
        %add3A_62 = arith.addi %add3A_41, %add3A_61 : i32
        %add3A_63 = arith.constant 1 : i32
        %add3A_64 = arith.addi %add3A_62, %add3A_63 : i32
        %lt3A_65 = arith.constant 5000 : i32
        %lt3A_66 = arith.cmpi slt, %add3A_64, %lt3A_65 : i32
        %convert_element_type3A_67 = arith.extui %lt3A_66 : i1 to i32
        %cond3A_68 = arith.constant 0 : i32
        %cond3A_69 = arith.cmpi ne, %convert_element_type3A_67, %cond3A_68 : i32
        scf.if %cond3A_69 {
          %dma_start3A = arith.constant 0 : i32
          %dma_start3A_75 = arith.constant 0 : i32
          %dma_start3A_76 = tpu.memref_slice %arg9[%dma_start3A, %dma_start3A_75] : memref<40x128xi32, #tpu.memory_space<vmem>> -> memref<1x128xi32, #tpu.memory_space<vmem>>
          %dma_start3A_77 = tpu.memref_squeeze %dma_start3A_76 : memref<1x128xi32, #tpu.memory_space<vmem>> -> memref<128xi32, #tpu.memory_space<vmem>>
          %dma_start3A_78 = arith.constant 0 : i32
          %dma_start3A_79 = arith.constant 0 : i32
          %dma_start3A_80 = tpu.memref_slice %arg14[%dma_start3A_78, %dma_start3A_79] : memref<208x128xf32, #tpu.memory_space<vmem_shared>> -> memref<208x128xf32, #tpu.memory_space<vmem_shared>>
          tpu.enqueue_indirect_dma source(%dma_start3A_80 : memref<208x128xf32, #tpu.memory_space<vmem_shared>>) target(%arg12 : memref<128x128xf32, #tpu.memory_space<vmem>>) offsets(%dma_start3A_77 : memref<128xi32, #tpu.memory_space<vmem>>) semaphore(%arg16 : memref<!tpu.dma_semaphore, #tpu.memory_space<semaphore_mem>>)
        } else {
        }
        %scan3A_70 = arith.constant 0 : i32
        %scan3A_71 = arith.constant 40 : i32
        %scan3A_72 = arith.addi %scan3A_70, %scan3A_71 : i32
        %scan3A_73 = arith.constant 1 : i32
        scf.for %scan3A_75 = %scan3A_70 to %scan3A_72 step %scan3A_73  : i32 {
          %mul3A_76 = arith.constant 1 : i32
          %mul3A_77 = arith.muli %scan3A_75, %mul3A_76 : i32
          %add3A_78 = arith.constant 0 : i32
          %add3A_79 = arith.addi %add3A_78, %mul3A_77 : i32
          %mul3A_80 = arith.constant 2 : i32
          %mul3A_81 = arith.muli %mul3A_80, %add3A_79 : i32
          %add3A_82 = arith.addi %add3A_41, %mul3A_81 : i32
          %add3A_83 = arith.constant 0 : i32
          %add3A_84 = arith.addi %add3A_82, %add3A_83 : i32
          %lt3A_85 = arith.constant 5000 : i32
          %lt3A_86 = arith.cmpi slt, %add3A_84, %lt3A_85 : i32
          %convert_element_type3A_87 = arith.extui %lt3A_86 : i1 to i32
          %cond3A_88 = arith.constant 0 : i32
          %cond3A_89 = arith.cmpi ne, %convert_element_type3A_87, %cond3A_88 : i32
          scf.if %cond3A_89 {
            %dma_wait3A = arith.constant 0 : i32
            %dma_wait3A_100 = arith.constant 0 : i32
            %dma_wait3A_101 = tpu.memref_slice %arg2[%dma_wait3A, %dma_wait3A_100] : memref<10000x128xf32, #tpu.memory_space<hbm>> -> memref<128x128xf32, #tpu.memory_space<hbm>>
            %dma_wait3A_102 = arith.constant 0 : i32
            %dma_wait3A_103 = arith.constant 0 : i32
            %dma_wait3A_104 = tpu.memref_slice %arg2[%dma_wait3A_102, %dma_wait3A_103] : memref<10000x128xf32, #tpu.memory_space<hbm>> -> memref<128x128xf32, #tpu.memory_space<hbm>>
            tpu.wait_dma2 semaphore(%arg15 : memref<!tpu.dma_semaphore, #tpu.memory_space<semaphore_mem>>) src(%dma_wait3A_104 : memref<128x128xf32, #tpu.memory_space<hbm>>) dst(%arg11 : memref<128x128xf32, #tpu.memory_space<vmem>>)
            "tpu.region"() ({
              %run_scoped3A_112 = tpu.sem_alloc : memref<!tpu.dma_semaphore, #tpu.memory_space<semaphore_mem>>
              %dma_start3A = arith.constant 0 : i32
              %dma_start3A_113 = tpu.memref_slice %arg10[%add3A_79, %dma_start3A] : memref<40x128xi32, #tpu.memory_space<vmem>> -> memref<1x128xi32, #tpu.memory_space<vmem>>
              %dma_start3A_114 = tpu.memref_squeeze %dma_start3A_113 : memref<1x128xi32, #tpu.memory_space<vmem>> -> memref<128xi32, #tpu.memory_space<vmem>>
              %dma_start3A_115 = arith.constant 0 : i32
              %dma_start3A_116 = arith.constant 0 : i32
              %dma_start3A_117 = tpu.memref_slice %arg13[%dma_start3A_115, %dma_start3A_116] : memref<10112x128xf32, #tpu.memory_space<vmem_shared>> -> memref<10112x128xf32, #tpu.memory_space<vmem_shared>>
              tpu.enqueue_indirect_dma source(%arg11 : memref<128x128xf32, #tpu.memory_space<vmem>>) target(%dma_start3A_117 : memref<10112x128xf32, #tpu.memory_space<vmem_shared>>) offsets(%dma_start3A_114 : memref<128xi32, #tpu.memory_space<vmem>>) semaphore(%run_scoped3A_112 : memref<!tpu.dma_semaphore, #tpu.memory_space<semaphore_mem>>) {add = true}
              %dma_wait3A_118 = arith.constant 0 : i32
              %dma_wait3A_119 = tpu.memref_slice %arg10[%add3A_79, %dma_wait3A_118] : memref<40x128xi32, #tpu.memory_space<vmem>> -> memref<1x128xi32, #tpu.memory_space<vmem>>
              %dma_wait3A_120 = tpu.memref_squeeze %dma_wait3A_119 : memref<1x128xi32, #tpu.memory_space<vmem>> -> memref<128xi32, #tpu.memory_space<vmem>>
              %dma_wait3A_121 = arith.constant 0 : i32
              %dma_wait3A_122 = arith.constant 0 : i32
              %dma_wait3A_123 = tpu.memref_slice %arg13[%dma_wait3A_121, %dma_wait3A_122] : memref<10112x128xf32, #tpu.memory_space<vmem_shared>> -> memref<10112x128xf32, #tpu.memory_space<vmem_shared>>
              tpu.wait_indirect_dma semaphore(%run_scoped3A_112 : memref<!tpu.dma_semaphore, #tpu.memory_space<semaphore_mem>>) src(%arg11 : memref<128x128xf32, #tpu.memory_space<vmem>>) dst(%dma_wait3A_123 : memref<10112x128xf32, #tpu.memory_space<vmem_shared>>)
              tpu.yield
            }) : () -> ()
            %add3A_105 = arith.constant 1 : i32
            %add3A_106 = arith.addi %add3A_79, %add3A_105 : i32
            %lt3A_107 = arith.constant 40 : i32
            %lt3A_108 = arith.cmpi slt, %add3A_106, %lt3A_107 : i32
            %convert_element_type3A_109 = arith.extui %lt3A_108 : i1 to i32
            %cond3A_110 = arith.constant 0 : i32
            %cond3A_111 = arith.cmpi ne, %convert_element_type3A_109, %cond3A_110 : i32
            scf.if %cond3A_111 {
              %add3A_112 = arith.constant 1 : i32
              %add3A_113 = arith.addi %add3A_79, %add3A_112 : i32
              %mul3A_114 = arith.constant 2 : i32
              %mul3A_115 = arith.muli %mul3A_114, %add3A_113 : i32
              %add3A_116 = arith.addi %add3A_41, %mul3A_115 : i32
              %add3A_117 = arith.constant 0 : i32
              %add3A_118 = arith.addi %add3A_116, %add3A_117 : i32
              %lt3A_119 = arith.constant 5000 : i32
              %lt3A_120 = arith.cmpi slt, %add3A_118, %lt3A_119 : i32
              %convert_element_type3A_121 = arith.extui %lt3A_120 : i1 to i32
              %cond3A_122 = arith.constant 0 : i32
              %cond3A_123 = arith.cmpi ne, %convert_element_type3A_121, %cond3A_122 : i32
              scf.if %cond3A_123 {
                %dma_start3A = arith.constant 0 : i32
                %dma_start3A_124 = tpu.memref_slice %arg8[%add3A_113, %dma_start3A] : memref<40x128xi32, #tpu.memory_space<vmem>> -> memref<1x128xi32, #tpu.memory_space<vmem>>
                %dma_start3A_125 = tpu.memref_squeeze %dma_start3A_124 : memref<1x128xi32, #tpu.memory_space<vmem>> -> memref<128xi32, #tpu.memory_space<vmem>>
                %dma_start3A_126 = arith.constant 0 : i32
                %dma_start3A_127 = arith.constant 0 : i32
                %dma_start3A_128 = tpu.memref_slice %arg2[%dma_start3A_126, %dma_start3A_127] : memref<10000x128xf32, #tpu.memory_space<hbm>> -> memref<10000x128xf32, #tpu.memory_space<hbm>>
                tpu.enqueue_indirect_dma source(%dma_start3A_128 : memref<10000x128xf32, #tpu.memory_space<hbm>>) target(%arg11 : memref<128x128xf32, #tpu.memory_space<vmem>>) offsets(%dma_start3A_125 : memref<128xi32, #tpu.memory_space<vmem>>) semaphore(%arg15 : memref<!tpu.dma_semaphore, #tpu.memory_space<semaphore_mem>>)
              } else {
              }
            } else {
            }
          } else {
          }
          %mul3A_90 = arith.constant 2 : i32
          %mul3A_91 = arith.muli %mul3A_90, %add3A_79 : i32
          %add3A_92 = arith.addi %add3A_41, %mul3A_91 : i32
          %add3A_93 = arith.constant 1 : i32
          %add3A_94 = arith.addi %add3A_92, %add3A_93 : i32
          %lt3A_95 = arith.constant 5000 : i32
          %lt3A_96 = arith.cmpi slt, %add3A_94, %lt3A_95 : i32
          %convert_element_type3A_97 = arith.extui %lt3A_96 : i1 to i32
          %cond3A_98 = arith.constant 0 : i32
          %cond3A_99 = arith.cmpi ne, %convert_element_type3A_97, %cond3A_98 : i32
          scf.if %cond3A_99 {
            %dma_wait3A = arith.constant 0 : i32
            %dma_wait3A_100 = arith.constant 0 : i32
            %dma_wait3A_101 = tpu.memref_slice %arg2[%dma_wait3A, %dma_wait3A_100] : memref<10000x128xf32, #tpu.memory_space<hbm>> -> memref<128x128xf32, #tpu.memory_space<hbm>>
            %dma_wait3A_102 = arith.constant 0 : i32
            %dma_wait3A_103 = arith.constant 0 : i32
            %dma_wait3A_104 = tpu.memref_slice %arg2[%dma_wait3A_102, %dma_wait3A_103] : memref<10000x128xf32, #tpu.memory_space<hbm>> -> memref<128x128xf32, #tpu.memory_space<hbm>>
            tpu.wait_dma2 semaphore(%arg16 : memref<!tpu.dma_semaphore, #tpu.memory_space<semaphore_mem>>) src(%dma_wait3A_104 : memref<128x128xf32, #tpu.memory_space<hbm>>) dst(%arg12 : memref<128x128xf32, #tpu.memory_space<vmem>>)
            "tpu.region"() ({
              %run_scoped3A_112 = tpu.sem_alloc : memref<!tpu.dma_semaphore, #tpu.memory_space<semaphore_mem>>
              %dma_start3A = arith.constant 0 : i32
              %dma_start3A_113 = tpu.memref_slice %arg10[%add3A_79, %dma_start3A] : memref<40x128xi32, #tpu.memory_space<vmem>> -> memref<1x128xi32, #tpu.memory_space<vmem>>
              %dma_start3A_114 = tpu.memref_squeeze %dma_start3A_113 : memref<1x128xi32, #tpu.memory_space<vmem>> -> memref<128xi32, #tpu.memory_space<vmem>>
              %dma_start3A_115 = arith.constant 0 : i32
              %dma_start3A_116 = arith.constant 0 : i32
              %dma_start3A_117 = tpu.memref_slice %arg13[%dma_start3A_115, %dma_start3A_116] : memref<10112x128xf32, #tpu.memory_space<vmem_shared>> -> memref<10112x128xf32, #tpu.memory_space<vmem_shared>>
              tpu.enqueue_indirect_dma source(%arg12 : memref<128x128xf32, #tpu.memory_space<vmem>>) target(%dma_start3A_117 : memref<10112x128xf32, #tpu.memory_space<vmem_shared>>) offsets(%dma_start3A_114 : memref<128xi32, #tpu.memory_space<vmem>>) semaphore(%run_scoped3A_112 : memref<!tpu.dma_semaphore, #tpu.memory_space<semaphore_mem>>) {add = true}
              %dma_wait3A_118 = arith.constant 0 : i32
              %dma_wait3A_119 = tpu.memref_slice %arg10[%add3A_79, %dma_wait3A_118] : memref<40x128xi32, #tpu.memory_space<vmem>> -> memref<1x128xi32, #tpu.memory_space<vmem>>
              %dma_wait3A_120 = tpu.memref_squeeze %dma_wait3A_119 : memref<1x128xi32, #tpu.memory_space<vmem>> -> memref<128xi32, #tpu.memory_space<vmem>>
              %dma_wait3A_121 = arith.constant 0 : i32
              %dma_wait3A_122 = arith.constant 0 : i32
              %dma_wait3A_123 = tpu.memref_slice %arg13[%dma_wait3A_121, %dma_wait3A_122] : memref<10112x128xf32, #tpu.memory_space<vmem_shared>> -> memref<10112x128xf32, #tpu.memory_space<vmem_shared>>
              tpu.wait_indirect_dma semaphore(%run_scoped3A_112 : memref<!tpu.dma_semaphore, #tpu.memory_space<semaphore_mem>>) src(%arg12 : memref<128x128xf32, #tpu.memory_space<vmem>>) dst(%dma_wait3A_123 : memref<10112x128xf32, #tpu.memory_space<vmem_shared>>)
              tpu.yield
            }) : () -> ()
            %add3A_105 = arith.constant 1 : i32
            %add3A_106 = arith.addi %add3A_79, %add3A_105 : i32
            %lt3A_107 = arith.constant 40 : i32
            %lt3A_108 = arith.cmpi slt, %add3A_106, %lt3A_107 : i32
            %convert_element_type3A_109 = arith.extui %lt3A_108 : i1 to i32
            %cond3A_110 = arith.constant 0 : i32
            %cond3A_111 = arith.cmpi ne, %convert_element_type3A_109, %cond3A_110 : i32
            scf.if %cond3A_111 {
              %add3A_112 = arith.constant 1 : i32
              %add3A_113 = arith.addi %add3A_79, %add3A_112 : i32
              %mul3A_114 = arith.constant 2 : i32
              %mul3A_115 = arith.muli %mul3A_114, %add3A_113 : i32
              %add3A_116 = arith.addi %add3A_41, %mul3A_115 : i32
              %add3A_117 = arith.constant 1 : i32
              %add3A_118 = arith.addi %add3A_116, %add3A_117 : i32
              %lt3A_119 = arith.constant 5000 : i32
              %lt3A_120 = arith.cmpi slt, %add3A_118, %lt3A_119 : i32
              %convert_element_type3A_121 = arith.extui %lt3A_120 : i1 to i32
              %cond3A_122 = arith.constant 0 : i32
              %cond3A_123 = arith.cmpi ne, %convert_element_type3A_121, %cond3A_122 : i32
              scf.if %cond3A_123 {
                %dma_start3A = arith.constant 0 : i32
                %dma_start3A_124 = tpu.memref_slice %arg9[%add3A_113, %dma_start3A] : memref<40x128xi32, #tpu.memory_space<vmem>> -> memref<1x128xi32, #tpu.memory_space<vmem>>
                %dma_start3A_125 = tpu.memref_squeeze %dma_start3A_124 : memref<1x128xi32, #tpu.memory_space<vmem>> -> memref<128xi32, #tpu.memory_space<vmem>>
                %dma_start3A_126 = arith.constant 0 : i32
                %dma_start3A_127 = arith.constant 0 : i32
                %dma_start3A_128 = tpu.memref_slice %arg14[%dma_start3A_126, %dma_start3A_127] : memref<208x128xf32, #tpu.memory_space<vmem_shared>> -> memref<208x128xf32, #tpu.memory_space<vmem_shared>>
                tpu.enqueue_indirect_dma source(%dma_start3A_128 : memref<208x128xf32, #tpu.memory_space<vmem_shared>>) target(%arg12 : memref<128x128xf32, #tpu.memory_space<vmem>>) offsets(%dma_start3A_125 : memref<128xi32, #tpu.memory_space<vmem>>) semaphore(%arg16 : memref<!tpu.dma_semaphore, #tpu.memory_space<semaphore_mem>>)
              } else {
              }
            } else {
            }
          } else {
          }
        }
        %scan3A_74 = arith.constant 40 : i32
      } else {
      }
    }
    %scan3A_28 = arith.constant 2 : i32
    %barrier3A_29 = arith.constant 0 : index
    tpu.barrier barrier_id(%barrier3A_29)
    %mul3A_30 = arith.constant 632 : i32
    %mul3A_31 = arith.muli %arg1, %mul3A_30 : i32
    %mul3A_32 = arith.constant 632 : i32
    %mul3A_33 = arith.muli %arg1, %mul3A_32 : i32
    "tpu.region"() ({
      %run_scoped3A = tpu.sem_alloc : memref<!tpu.dma_semaphore, #tpu.memory_space<semaphore_mem>>
      %dma_start3A = arith.constant 0 : i32
      %dma_start3A_34 = tpu.memref_slice %arg7[%arg0, %mul3A_33, %dma_start3A] : memref<2x10112x128xf32, #tpu.memory_space<hbm>> -> memref<1x632x128xf32, #tpu.memory_space<hbm>>
      %dma_start3A_35 = tpu.memref_squeeze %dma_start3A_34 : memref<1x632x128xf32, #tpu.memory_space<hbm>> -> memref<632x128xf32, #tpu.memory_space<hbm>>
      %dma_start3A_36 = arith.constant 0 : i32
      %dma_start3A_37 = tpu.memref_slice %arg13[%mul3A_31, %dma_start3A_36] : memref<10112x128xf32, #tpu.memory_space<vmem_shared>> -> memref<632x128xf32, #tpu.memory_space<vmem_shared>>
      tpu.enqueue_dma source(%dma_start3A_37 : memref<632x128xf32, #tpu.memory_space<vmem_shared>>) target(%dma_start3A_35 : memref<632x128xf32, #tpu.memory_space<hbm>>) target_semaphore(%run_scoped3A : memref<!tpu.dma_semaphore, #tpu.memory_space<semaphore_mem>>)
      %dma_wait3A = arith.constant 0 : i32
      %dma_wait3A_38 = tpu.memref_slice %arg7[%arg0, %mul3A_33, %dma_wait3A] : memref<2x10112x128xf32, #tpu.memory_space<hbm>> -> memref<1x632x128xf32, #tpu.memory_space<hbm>>
      %dma_wait3A_39 = tpu.memref_squeeze %dma_wait3A_38 : memref<1x632x128xf32, #tpu.memory_space<hbm>> -> memref<632x128xf32, #tpu.memory_space<hbm>>
      %dma_wait3A_40 = arith.constant 0 : i32
      %dma_wait3A_41 = tpu.memref_slice %arg13[%mul3A_31, %dma_wait3A_40] : memref<10112x128xf32, #tpu.memory_space<vmem_shared>> -> memref<632x128xf32, #tpu.memory_space<vmem_shared>>
      tpu.wait_dma2 semaphore(%run_scoped3A : memref<!tpu.dma_semaphore, #tpu.memory_space<semaphore_mem>>) src(%dma_wait3A_41 : memref<632x128xf32, #tpu.memory_space<vmem_shared>>) dst(%dma_wait3A_39 : memref<632x128xf32, #tpu.memory_space<hbm>>)
      tpu.yield
    }) : () -> ()
    return
  }
}

module attributes {stable_mosaic.version = 14 : i64} {
  func.func @body(%arg0: i32, %arg1: memref<1000x128xf32, #tpu.memory_space<vmem>>, %arg2: memref<1x1000x128xf32, #tpu.memory_space<vmem>>, %arg3: memref<1x1000x128xf32, #tpu.memory_space<vmem>>, %arg4: memref<128x128xf32, #tpu.memory_space<vmem>>, %arg5: memref<1x128xf32, #tpu.memory_space<vmem>>, %arg6: memref<208x128xf32, #tpu.memory_space<vmem>>, %arg7: memref<128x128xf32, #tpu.memory_space<vmem>>, %arg8: memref<1000x128xf32, #tpu.memory_space<vmem>>, %arg9: memref<208x128xf32, #tpu.memory_space<vmem>>) attributes {dimension_semantics = [#tpu.dimension_semantics<arbitrary>], iteration_bounds = array<i64: 10>, scalar_prefetch = 0 : i64, scratch_operands = 0 : i64, tpu.core_type = #tpu.core_type<tc>, window_params = [{transform_indices = @transform_0, window_bounds = array<i64: 1000, 128>}, {transform_indices = @transform_1, window_bounds = array<i64: 1, 1000, 128>}, {transform_indices = @transform_2, window_bounds = array<i64: 1, 1000, 128>}, {pipeline_mode = #tpu.pipeline_mode<synchronous>, transform_indices = @transform_3, window_bounds = array<i64: 128, 128>}, {pipeline_mode = #tpu.pipeline_mode<synchronous>, transform_indices = @transform_4, window_bounds = array<i64: 1, 128>}, {pipeline_mode = #tpu.pipeline_mode<synchronous>, transform_indices = @transform_5, window_bounds = array<i64: 208, 128>}, {pipeline_mode = #tpu.pipeline_mode<synchronous>, transform_indices = @transform_6, window_bounds = array<i64: 128, 128>}, {transform_indices = @transform_7, window_bounds = array<i64: 1000, 128>}, {pipeline_mode = #tpu.pipeline_mode<synchronous>, transform_indices = @transform_8, window_bounds = array<i64: 208, 128>}]} {
    %get3A = arith.constant 0 : index
    %get3A_0 = arith.constant 0 : index
    %get3A_1 = vector.load %arg1[%get3A, %get3A_0] : memref<1000x128xf32, #tpu.memory_space<vmem>>, vector<1000x128xf32>
    %get3A_2 = arith.constant 0 : index
    %get3A_3 = arith.constant 0 : index
    %get3A_4 = arith.constant 0 : index
    %get3A_5 = vector.load %arg2[%get3A_2, %get3A_3, %get3A_4] : memref<1x1000x128xf32, #tpu.memory_space<vmem>>, vector<1x1000x128xf32>
    %get3A_6 = vector.shape_cast %get3A_5 : vector<1x1000x128xf32> to vector<1000x128xf32>
    %add3A = arith.addf %get3A_1, %get3A_6 : vector<1000x128xf32>
    %get3A_7 = arith.constant 0 : index
    %get3A_8 = arith.constant 0 : index
    %get3A_9 = arith.constant 0 : index
    %get3A_10 = vector.load %arg3[%get3A_7, %get3A_8, %get3A_9] : memref<1x1000x128xf32, #tpu.memory_space<vmem>>, vector<1x1000x128xf32>
    %get3A_11 = vector.shape_cast %get3A_10 : vector<1x1000x128xf32> to vector<1000x128xf32>
    %add3A_12 = arith.addf %add3A, %get3A_11 : vector<1000x128xf32>
    %get3A_13 = arith.constant 0 : index
    %get3A_14 = arith.constant 0 : index
    %get3A_15 = vector.load %arg4[%get3A_13, %get3A_14] : memref<128x128xf32, #tpu.memory_space<vmem>>, vector<128x128xf32>
    %dot_general3A = arith.constant dense<0.000000e+00> : vector<1000x128xf32>
    %dot_general3A_16 = tpu.matmul %add3A_12, %get3A_15, %dot_general3A {dimension_numbers = #tpu.dot_dimension_numbers<[1], [0], [0], [1], [0, 0, 1, 1], [], []>, transpose_lhs_hint = false} : vector<1000x128xf32>, vector<128x128xf32>, vector<1000x128xf32> -> vector<1000x128xf32>
    %get3A_17 = arith.constant 0 : index
    %get3A_18 = arith.constant 0 : index
    %get3A_19 = vector.load %arg5[%get3A_17, %get3A_18] : memref<1x128xf32, #tpu.memory_space<vmem>>, vector<1x128xf32>
    %add3A_20 = vector.broadcast %get3A_19 : vector<1x128xf32> to vector<1000x128xf32>
    %add3A_21 = arith.addf %dot_general3A_16, %add3A_20 : vector<1000x128xf32>
    %swap3A = arith.constant 0 : index
    %swap3A_22 = arith.constant 0 : index
    %swap3A_23 = vector.load %arg8[%swap3A, %swap3A_22] : memref<1000x128xf32, #tpu.memory_space<vmem>>, vector<1000x128xf32>
    tpu.vector_store %arg8[%swap3A, %swap3A_22], %add3A_21 {strides = array<i32>} : memref<1000x128xf32, #tpu.memory_space<vmem>>, vector<1000x128xf32>,
    %get3A_24 = arith.constant 0 : index
    %get3A_25 = arith.constant 0 : index
    %get3A_26 = vector.load %arg6[%get3A_24, %get3A_25] : memref<208x128xf32, #tpu.memory_space<vmem>>, vector<208x128xf32>
    %get3A_27 = arith.constant 0 : index
    %get3A_28 = arith.constant 0 : index
    %get3A_29 = vector.load %arg7[%get3A_27, %get3A_28] : memref<128x128xf32, #tpu.memory_space<vmem>>, vector<128x128xf32>
    %dot_general3A_30 = arith.constant dense<0.000000e+00> : vector<208x128xf32>
    %dot_general3A_31 = tpu.matmul %get3A_26, %get3A_29, %dot_general3A_30 {dimension_numbers = #tpu.dot_dimension_numbers<[1], [0], [0], [1], [0, 0, 1, 1], [], []>, transpose_lhs_hint = false} : vector<208x128xf32>, vector<128x128xf32>, vector<208x128xf32> -> vector<208x128xf32>
    %swap3A_32 = arith.constant 0 : index
    %swap3A_33 = arith.constant 0 : index
    %swap3A_34 = vector.load %arg9[%swap3A_32, %swap3A_33] : memref<208x128xf32, #tpu.memory_space<vmem>>, vector<208x128xf32>
    tpu.vector_store %arg9[%swap3A_32, %swap3A_33], %dot_general3A_31 {strides = array<i32>} : memref<208x128xf32, #tpu.memory_space<vmem>>, vector<208x128xf32>,
    return
  }
  func.func @transform_0(%arg0: i32) -> (i32, i32) {
    %c0_i32 = arith.constant 0 : i32
    %c0_i32_0 = arith.constant 0 : i32
    return %arg0, %c0_i32 : i32, i32
  }
  func.func @transform_1(%arg0: i32) -> (i32, i32, i32) {
    %c0_i32 = arith.constant 0 : i32
    %c0_i32_0 = arith.constant 0 : i32
    %c0_i32_1 = arith.constant 0 : i32
    return %c0_i32, %arg0, %c0_i32_0 : i32, i32, i32
  }
  func.func @transform_2(%arg0: i32) -> (i32, i32, i32) {
    %c1_i32 = arith.constant 1 : i32
    %c0_i32 = arith.constant 0 : i32
    %c0_i32_0 = arith.constant 0 : i32
    return %c1_i32, %arg0, %c0_i32 : i32, i32, i32
  }
  func.func @transform_3(%arg0: i32) -> (i32, i32) {
    %c0_i32 = arith.constant 0 : i32
    %c0_i32_0 = arith.constant 0 : i32
    %c0_i32_1 = arith.constant 0 : i32
    return %c0_i32, %c0_i32_0 : i32, i32
  }
  func.func @transform_4(%arg0: i32) -> (i32, i32) {
    %c0_i32 = arith.constant 0 : i32
    %c0_i32_0 = arith.constant 0 : i32
    %c0_i32_1 = arith.constant 0 : i32
    return %c0_i32, %c0_i32_0 : i32, i32
  }
  func.func @transform_5(%arg0: i32) -> (i32, i32) {
    %c0_i32 = arith.constant 0 : i32
    %c0_i32_0 = arith.constant 0 : i32
    %c0_i32_1 = arith.constant 0 : i32
    return %c0_i32, %c0_i32_0 : i32, i32
  }
  func.func @transform_6(%arg0: i32) -> (i32, i32) {
    %c0_i32 = arith.constant 0 : i32
    %c0_i32_0 = arith.constant 0 : i32
    %c0_i32_1 = arith.constant 0 : i32
    return %c0_i32, %c0_i32_0 : i32, i32
  }
  func.func @transform_7(%arg0: i32) -> (i32, i32) {
    %c0_i32 = arith.constant 0 : i32
    %c0_i32_0 = arith.constant 0 : i32
    return %arg0, %c0_i32 : i32, i32
  }
  func.func @transform_8(%arg0: i32) -> (i32, i32) {
    %c0_i32 = arith.constant 0 : i32
    %c0_i32_0 = arith.constant 0 : i32
    %c0_i32_1 = arith.constant 0 : i32
    return %c0_i32, %c0_i32_0 : i32, i32
  }
}

</mosaic_0001>

<sc_bundles>
// kernel: kernel.4.cloned.1.call-start
scs
__scs_entry_jumppad:
0x0: {  	(pc) =	sbr.rel $0x88, $3  }
0x1: {  	(tag) =	ssettag $0x0;
	lr =	simm.s32 $0x1  }
0x2: {  	[smem:$0x3F9A] =	sst lr;
	_ =	strace $0xD0000000  }
0x3: {  	_ = 	snop  }
0x4: {  	_ = 	snop  }
0x5: {  	_ = 	snop  }
0x6: {  	_ = 	snop  }
0x7: {  	_ = 	snop  }
__scs_overlays_trampoline_lowered:
0x8: {  	[smem:$0x3FA9] =	sst s0  }
0x9: {  	[smem:$0x3FAA] =	sst s1  }
0xa: {  	[smem:$0x3FAB] =	sst s2  }
0xb: {  	[smem:$0x3FAC] =	sst s3  }
0xc: {  	[smem:$0x3FAD] =	sst s4  }
0xd: {  	[smem:$0x3FAE] =	sst s5  }
0xe: {  	[smem:$0x3FAF] =	sst s6  }
0xf: {  	[smem:$0x3FB0] =	sst s7  }
0x10: {  	[smem:$0x3FB1] =	sst s8  }
0x11: {  	[smem:$0x3FB2] =	sst s9;
	s0 =	simm.s32 @!p0 $0x0  }
0x12: {  	s1 =	sld [smem:$0x3F98];
	s0 =	simm.s32 @p0 $0x1  }
0x13: {  	[smem:$0x3FB3] =	sst s0;
	s0 =	simm.s32 @!p1 $0x0  }
0x14: {  	s2 =	sld [smem:$0x3F97];
	s0 =	simm.s32 @p1 $0x1  }
0x15: {  	[smem:$0x3FB4] =	sst s0;
	s0 =	simm.s32 @!p2 $0x0  }
0x16: {  	s3 =	sld [smem:$0x3FDB];
	s0 =	simm.s32 @p2 $0x1  }
0x17: {  	s4 =	simm.s32 $0x1BF5;
	[smem:$0x3FB6] =	sst s0  }
0x18: {  	s0 =	sld [smem:$0x3F99];
	_ =	swait.ge [sflag:s4], $0x0  }
0x19: {  	s7 =	sld [smem:$0x3F9A]  }
0x1a: {  	s8 =	sadd.s32 $0xFFFFE003, lr  }
0x1b: {  	s9 =	sadd.s32 $0xFFFFFEF7, lr;
	s5 =	simm.s32 $0xFFFFFFFF;
	p2 =	slt.u32 s8, $0xFFFFF086  }
0x1c: {  	p1 =	slt.u32 s9, $0xF7A;
	s5 =	simm.s32 @!p2 $0x0  }
0x1d: {  	s5 =	simm.s32 @p1 $0x1;
	p0 =	seq.s32 s7, s2  }
0x1e: {  	s7 =	smul.u32 @!p0 $0xF7A, s2;
	p2 =	seq.s32 @!p0 s5, $0x0  }
0x1f: {  	s9 =	smul.u32 $0xF7A, s1;
	s8 =	simm.s32 @!p0 $0x1BF5;
	p2 =	por !p2, p0  }
0x20: {  	[sflag:s8] =	ssyncset.s32 @!p0 $0xFFFFF086;
	s6 =	sadd.s32 @!p0 s3, s7;
	s7 =	simm.s32 @!p0 $0x108  }
0x21: {  	s3 =	sadd.s32 s3, s9;
	s6 =	sadd.s32 @!p0 $0x88, s6;
	s7 =	simm.s32 @p2 $0x1082  }
0x22: {  	[simem:s7], [sflag:s8] =	dma.local @!p0 [hbm:s6], $0xF7A  }
0x23: {  	s9 =	sor.u32 $0xD0000000, s2;
	s6 =	simm.s32 $0x108;
	_ =	swait.ge @!p0 [sflag:s8], $0x0  }
0x24: {  	s3 =	sadd.s32 $0x88, s3;
	s6 =	simm.s32 @!p1 $0x1082;
	[sflag:s4] =	ssyncset.s32 $0xFFFFF086  }
0x25: {  	[simem:s6], [sflag:s4] =	dma.local [hbm:s3], $0xF7A  }
0x26: {  	[smem:$0x3F9A] =	sst s1;
	(tag) =	ssettag s2;
	_ =	strace s9  }
0x27: {  	s1 =	sld [smem:$0x3FAA]  }
0x28: {  	s2 =	sld [smem:$0x3FAB]  }
0x29: {  	s4 =	sld [smem:$0x3FAD]  }
0x2a: {  	p0 =	seq.s32 s5, $0x0;
	s5 =	sld [smem:$0x3FAE]  }
0x2b: {  	s6 =	sld [smem:$0x3FAF]  }
0x2c: {  	s7 =	sld [smem:$0x3FB0]  }
0x2d: {  	s3 =	simm.s32 $0x108;
	s8 =	sld [smem:$0x3FB1]  }
0x2e: {  	s3 =	simm.s32 @!p0 $0x1082;
	s9 =	sld [smem:$0x3FB2]  }
0x2f: {  	lr =	sadd.s32 s0, s3;
	s0 =	sld [smem:$0x3FA9]  }
0x30: {  	s3 =	sld [smem:$0x3FAC]  }
0x31: {  	[smem:$0x3FB5] =	sst s10  }
0x32: {  	s10 =	sld [smem:$0x3FB3];
	_ =	sdelay $0x3  }
0x33: {  	p0 =	seq.s32 s10, $0x1;
	s10 =	sld [smem:$0x3FB5];
	_ =	sdelay $0x3  }
0x34: {  	[smem:$0x3FB5] =	sst s10  }
0x35: {  	s10 =	sld [smem:$0x3FB4];
	_ =	sdelay $0x3  }
0x36: {  	p1 =	seq.s32 s10, $0x1;
	s10 =	sld [smem:$0x3FB5];
	_ =	sdelay $0x3  }
0x37: {  	[smem:$0x3FB5] =	sst s10  }
0x38: {  	s10 =	sld [smem:$0x3FB6]  }
0x39: {  	_ = 	snop;
	(pc) =	sbr.ind lr, $3  }
0x3a: {  	_ = 	snop  }
0x3b: {  	_ = 	snop  }
0x3c: {  	p2 =	seq.s32 s10, $0x1;
	s10 =	sld [smem:$0x3FB5]  }
0x3d: {  	_ =	shalt  }
0x3e: {  	_ =	shalt  }
0x3f: {  	_ =	shalt  }
0x40: {  	_ =	shalt  }
0x41: {  	_ =	shalt  }
0x42: {  	_ =	shalt  }
0x43: {  	_ =	shalt  }
0x44: {  	_ =	shalt  }
0x45: {  	_ =	shalt  }
0x46: {  	_ =	shalt  }
0x47: {  	_ =	shalt  }
0x48: {  	_ =	shalt  }
0x49: {  	_ =	shalt  }
0x4a: {  	_ =	shalt  }
0x4b: {  	_ =	shalt  }
0x4c: {  	_ =	shalt  }
0x4d: {  	_ =	shalt  }
0x4e: {  	_ =	shalt  }
0x4f: {  	_ =	shalt  }
0x50: {  	_ =	shalt  }
0x51: {  	_ =	shalt  }
0x52: {  	_ =	shalt  }
0x53: {  	_ =	shalt  }
0x54: {  	_ =	shalt  }
0x55: {  	_ =	shalt  }
0x56: {  	_ =	shalt  }
0x57: {  	_ =	shalt  }
0x58: {  	_ =	shalt  }
0x59: {  	_ =	shalt  }
0x5a: {  	_ =	shalt  }
0x5b: {  	_ =	shalt  }
0x5c: {  	_ =	shalt  }
0x5d: {  	_ =	shalt  }
0x5e: {  	_ =	shalt  }
0x5f: {  	_ =	shalt  }
0x60: {  	_ =	shalt  }
0x61: {  	_ =	shalt  }
0x62: {  	_ =	shalt  }
0x63: {  	_ =	shalt  }
0x64: {  	_ =	shalt  }
0x65: {  	_ =	shalt  }
0x66: {  	_ =	shalt  }
0x67: {  	_ =	shalt  }
0x68: {  	_ =	shalt  }
0x69: {  	_ =	shalt  }
0x6a: {  	_ =	shalt  }
0x6b: {  	_ =	shalt  }
0x6c: {  	_ =	shalt  }
0x6d: {  	_ =	shalt  }
0x6e: {  	_ =	shalt  }
0x6f: {  	_ =	shalt  }
0x70: {  	_ =	shalt  }
0x71: {  	_ =	shalt  }
0x72: {  	_ =	shalt  }
0x73: {  	_ =	shalt  }
0x74: {  	_ =	shalt  }
0x75: {  	_ =	shalt  }
0x76: {  	_ =	shalt  }
0x77: {  	_ =	shalt  }
0x78: {  	_ =	shalt  }
0x79: {  	_ =	shalt  }
0x7a: {  	_ =	shalt  }
0x7b: {  	_ =	shalt  }
0x7c: {  	_ =	shalt  }
0x7d: {  	_ =	shalt  }
0x7e: {  	_ =	shalt  }
0x7f: {  	_ =	shalt  }
0x80: {  	_ =	shalt  }
0x81: {  	_ =	shalt  }
0x82: {  	_ =	shalt  }
0x83: {  	_ =	shalt  }
0x84: {  	_ =	shalt  }
0x85: {  	_ =	shalt  }
0x86: {  	_ =	shalt  }
0x87: {  	_ =	shalt  }
.Lfunc_end0:
.L_simem_size_0:
called_computation_lowered:
.L_overlay_start_0:
0x88: {  	s2 =	sld [smem:$0x3FD9]  }
0x89: {  	s3 =	sld [smem:$0x3FFE];
	_ =	sdelay $0x1  }
0x8a: {  	s1 =	srdreg.scid  }
0x8b: {  	s0 =	sand.u32 $0x1, s1  }
0x8c: {  	s14 =	sshll.u32 s0, $0xA;
	s2 =	sadd.s32 s3, s2  }
0x8d: {  	s2 =	sadd.s32 s2, s14  }
0x8e: {  	[smem:$0x3FC1] =	sst s2  }
0x8f: {  	_ = 	snop  }
0x90: {  	s2 =	sld [smem:$0x3FD0];
	_ =	sdelay $0x1  }
0x91: {  	s15 =	sld [smem:$0x3FC9]  }
0x92: {  	s5 =	simm.s32 $0xA;
	s6 =	simm.s32 $0x10;
	s4 =	sld [smem:$0x3FC7]  }
0x93: {  	[smem:s6], [sflag:s5] =	dma.local [hbm:s2], $0x1  }
0x94: {  	_ =	swait.eq [sflag:s5], $0x1  }
0x95: {  	[sflag:s5] =	ssyncset.done $0x0  }
0x96: {  	s16 =	sld [smem:$0x10];
	[sflag:s5] =	ssyncadd.s32 $0xFFFFFFFF  }
0x97: {  	s17 =	sld [smem:$0x11];
	(tm) =	ssettm $0x1  }
0x98: {  	s18 =	sld [smem:$0x3FFB];
	_ =	sdelay $0x3  }
0x99: {  	_ =	strace s18  }
0x9a: {  	s6 =	sld [smem:$0x3FFC];
	_ =	sdelay $0x3  }
0x9b: {  	_ =	strace s6  }
0x9c: {  	s6 =	sld [smem:$0x3FFD];
	_ =	sdelay $0x3  }
0x9d: {  	_ =	strace s6  }
0x9e: {  	_ =	strace $0x8FFFFFFF  }
0x9f: {  	s19 =	sld [smem:$0x3FDB];
	_ =	sdelay $0x1  }
0xa0: {  	s7 =	simm.s32 $_scs_section_size  }
0xa1: {  	s8 =	simm.s32 $_size__tile_overlayer_lowered;
	s9 =	simm.s32 $_tile_overlayer_lowered  }
0xa2: {  	s22 =	simm.s32 $0x1BFF;
	s21 =	sshll.u32 s9, $0x1;
	s6 =	sadd.s32 s7, s19  }
0xa3: {  	s10 =	simm.s32 $0x0;
	s20 =	sshll.u32 s8, $0x1;
	s8 =	sadd.s32 s21, s6  }
0xa4: {  	[timem:s10], [sflag:s22] =	dma.local [hbm:s8], s20  }
0xa5: {  	_ =	swait.ge [sflag:s22], s20  }
0xa6: {  	s7 =	ssub.s32 $0x0, s20;
	[sflag:s22] =	ssyncset.done $0x0  }
0xa7: {  	[sflag:s22] =	ssyncadd.s32 s7;
	_ =	sdelay $0x1  }
0xa8: {  	s23 =	simm.s32 $0x1B8B  }
0xa9: {  	_ =	swait.ge [sflag:s23], $0x1  }
0xaa: {  	[sflag:s23] =	ssyncset.done $0x0  }
0xab: {  	s25 =	simm.s32 $0x1B8E;
	s24 =	sld [smem:$0x3FFE];
	[sflag:s23] =	ssyncadd.s32 $0xFFFFFFFF  }
0xac: {  	s26 =	simm.s32 $execute0_lowered;
	[smem:$0x3FD2] =	sst s25  }
0xad: {  	s8 =	sshll.u32 s26, $0x1;
	_ =	strace $0x80000046;
	[dreg:$0x1] =	wrdreg $0xFFFFFFFF  }
0xae: {  	s28 =	simm.s32 $_size_execute0_lowered;
	s6 =	sadd.s32 s6, s8;
	[dreg:$0x0] =	wrdreg $0x0  }
0xaf: {  	s8 =	sshll.u32 s28, $0x1;
	[dreg:$0x2] =	wrdreg s6  }
0xb0: {  	[dreg:$0x3] =	wrdreg s8  }
0xb1: {  	[dreg:$0x4] =	wrdreg $0xC0  }
0xb2: {  	_ =	task [dreg:s10], $0x5FFFF  }
0xb3: {  	[dreg:$0x1] =	wrdreg $0xFFFFFFFF  }
0xb4: {  	[dreg:$0x0] =	wrdreg $0x60  }
0xb5: {  	[dreg:$0x2] =	wrdreg s15  }
0xb6: {  	[dreg:$0x3] =	wrdreg s17  }
0xb7: {  	[dreg:$0x4] =	wrdreg s16  }
0xb8: {  	[dreg:$0x5] =	wrdreg s4  }
0xb9: {  	[dreg:$0x6] =	wrdreg s24  }
0xba: {  	[dreg:$0x7] =	wrdreg $0xBC000  }
0xbb: {  	[dreg:$0x8] =	wrdreg $0x1F8000  }
0xbc: {  	[dreg:$0x9] =	wrdreg $0x9  }
0xbd: {  	_ =	task.clear_ibuf [dreg:s10], $0xAFFFF;
	_ =	strace $0x90000046  }
0xbe: {  	s29 =	simm.s32 $0x9;
	_ =	strace $0x80000048  }
0xbf: {  	_ =	swait.ge [sflag:s29], $0x1  }
0xc0: {  	[sflag:s29] =	ssyncadd.s32 $0xFFFFFFFF  }
0xc1: {  	_ =	strace $0x90000048  }
0xc2: {  	_ =	sfence  }
0xc3: {  	s30 =	sld [smem:$0x0];
	_ =	sdelay $0x2  }
0xc4: {  	s31 =	sshll.u32 s1, $0xD;
	s1 =	sshrl.u32 s1, $0x2  }
0xc5: {  	s3 =	sand.u32 $0x4000, s31;
	s1 =	sadd.s32 s1, s30  }
0xc6: {  	s0 =	sor.u32 s3, s0;
	s1 =	sshll.u32 s1, $0x11  }
0xc7: {  	s0 =	sor.u32 s1, s0  }
0xc8: {  	s0 =	sadd.s32 $0x8F2B, s0  }
0xc9: {  	[sflag:s0] =	ssyncadd.remote.s32 $0x1  }
0xca: {  	_ =	sfence.sel $0xFFFF  }
0xcb: {  	[dreg:$0x0] =	wrdreg $0xFFFFFFFF;
	(pc) =	sbr.abs _section_cstart, $3  }
0xcc: {  	[dreg:$0x1] =	wrdreg $0xFFFFFFFF  }
0xcd: {  	_ =	task.clear_ibuf [dreg:s10], $0x2FFFF;
	_ =	strace $0x9FFFFFFF  }
0xce: {  	(tm) =	ssettm $0x7FFFFFFF  }
0xcf: {  	_ =	shalt  }
tec
execute0_lowered:
.L_overlay_start_1:
0x0: {  	(tag) =	ssettag $0x1  }
0x1: {  	s0 =	rddreg [dreg:$0x0]  }
0x2: {  	s2 =	rddreg [dreg:$0x2]  }
0x3: {  	s3 =	rddreg [dreg:$0x3]  }
0x4: {  	s1 =	rddreg [dreg:$0x4]  }
0x5: {  	s5 =	srdreg.scid;
	s4 =	rddreg [dreg:$0x5]  }
0x6: {  	s12 =	stileid.u32;
	s7 =	rddreg [dreg:$0x6]  }
0x7: {  	s9 =	simm.s32 $0x0;
	s20 =	simm.s32 $0x3C00;
	s21 =	simm.s32 $0x3  }
0x8: {  	s28 =	simm.s32 $0x0;
	s5 =	sand.u32 $0x1, s5;
	s8 =	smul.u32 $0x13C00, s12  }
0x9: {  	[smem:$0x7FF] =	sst s9;
	s22 =	smul.u32 $0x4F000, s12;
	s23 =	sadd.s32 $0x1800, s1  }
0xa: {  	s17 =	sadd.s32 $0x9C80, s2;
	p0 =	sne.s32 s12, $0x0;
	s6 =	smul.u32 $0x13C000, s5  }
0xb: {  	_ =	strace $0x80000047;
	[dreg:$0x8] =	wrdreg s23;
	s24 =	ssub.s32 $0x2, s5  }
0xc: {  	s5 =	sshll.u32 s5, $0x4;
	s6 =	sadd.s32 s8, s6;
	s8 =	sshrl.u32 s22, $0x2  }
0xd: {  	s23 =	simm.s32 $0x1400;
	s5 =	sor.u32 s12, s5;
	s10 =	sadd.s32 s8, s4  }
0xe: {  	s25 =	sshrl.u32 s24, $0x1;
	s11 =	smul.u32 $0xA0, s5;
	s8 =	sadd.s32 $0x4000, s10  }
0xf: {  	s6 =	sshrl.u32 s6, $0x3;
	s26 =	sadd.s32 $0x8000, s10;
	[dreg:$0x9] =	wrdreg s8  }
0x10: {  	s1 =	sadd.s32 s6, s1;
	s29 =	sadd.s32 $0xC000, s10;
	[dreg:$0xa] =	wrdreg s26  }
.Ltmp0:
0x11: {  	s30 =	sadd.s32 $0x10000, s10;
	[dreg:$0xb] =	wrdreg s29;
	(pc) =	sbr.rel .LBB2_1-.Ltmp0, $4  }
0x12: {  	s6 =	ssub.s32 s24, s25;
	[dreg:$0xc] =	wrdreg s30;
	s1 =	sadd.s32 $0x2000, s1  }
0x13: {  	s16 =	smul.u32 $0x50, s5;
	s31 =	smax.u32 s6, $0x1;
	[dreg:$0xd] =	wrdreg s1  }
0x14: {  	s24 =	simm.s32 $0x2800;
	[dreg:$0xe] =	wrdreg s31;
	s1 =	sshrl.u32 @!p0 s7, $0x3  }
0x15: {  	s25 =	simm.s32 $0x80;
	s26 =	simm.s32 $0x7C00;
	[dreg:$0xf] =	wrdreg s1  }
.LBB2_7:
0x16: {  	s1 =	stileid.u32  }
0x17: {  	[bflag:$0x0] =	sbarrier.arrive $0xFFFF;
	s1 =	sshll.u32 s1, $0x6  }
0x18: {  	s5 =	sshrl.u32 s10, $0x3;
	s6 =	rddreg [dreg:$0xd];
	s1 =	sor.u32 $0x1C03, s1  }
0x19: {  	[hbm:s6], [sflag:s1] =	dma.local [spmem:s5], $0x2780  }
0x1a: {  	_ =	swait.ge [sflag:s21], $0x2780  }
0x1b: {  	s28 =	sadd.s32 $0x1, s28;
	s31 =	rddreg [dreg:$0xe]  }
0x1c: {  	p1 =	sne.s32 s28, s31  }
.Ltmp1:
0x1d: {  	_ = 	snop;
	(pc) =	sbr.rel @!p1 .LBB2_8-.Ltmp1, $3  }
0x1e: {  	_ =	sdelay $0x1  }
0x1f: {  	[sflag:s21] =	ssyncset.done $0x0  }
0x20: {  	[sflag:s21] =	ssyncadd.s32 $0xFFFFD880  }
.LBB2_1:
0x21: {  	s1 =	simm.s32 $0x0;
	s5 =	rddreg [dreg:$0x8]  }
0x22: {  	[tilespmem:s20], [sflag:$0x3] =	stream.linear.gather [hbm4b:s5+s1], $0x4000, $0x38;
	[tilespmem:$0x1FE80] =	vst v63  }
0x23: {  	_ =	swait.ge [sflag:s21], $0x4000  }
0x24: {  	[sflag:s21] =	ssyncset.done $0x0  }
0x25: {  	[sflag:s21] =	ssyncadd.s32 $0xFFFFC000  }
0x26: {  	[spmem:s10] =	stream.linear.scatter [tilespmem:s20], [sflag:$0x3], $0x4000, $0x38;
	[tilespmem:$0x1FE80] =	vst v63  }
0x27: {  	_ =	swait.ge [sflag:s21], $0x4000  }
0x28: {  	[sflag:s21] =	ssyncset.done $0x0  }
0x29: {  	s22 =	rddreg [dreg:$0x9];
	[sflag:s21] =	ssyncadd.s32 $0xFFFFC000  }
0x2a: {  	[spmem:s22] =	stream.linear.scatter [tilespmem:s20], [sflag:$0x3], $0x4000, $0x38;
	[tilespmem:$0x1FE80] =	vst v63  }
0x2b: {  	_ =	swait.ge [sflag:s21], $0x4000  }
0x2c: {  	[sflag:s21] =	ssyncset.done $0x0  }
0x2d: {  	s29 =	rddreg [dreg:$0xa];
	[sflag:s21] =	ssyncadd.s32 $0xFFFFC000  }
0x2e: {  	[spmem:s29] =	stream.linear.scatter [tilespmem:s20], [sflag:$0x3], $0x4000, $0x38;
	[tilespmem:$0x1FE80] =	vst v63  }
0x2f: {  	_ =	swait.ge [sflag:s21], $0x4000  }
0x30: {  	[sflag:s21] =	ssyncset.done $0x0  }
0x31: {  	s30 =	rddreg [dreg:$0xb];
	[sflag:s21] =	ssyncadd.s32 $0xFFFFC000  }
0x32: {  	[spmem:s30] =	stream.linear.scatter [tilespmem:s20], [sflag:$0x3], $0x4000, $0x38;
	[tilespmem:$0x1FE80] =	vst v63  }
0x33: {  	_ =	swait.ge [sflag:s21], $0x4000  }
0x34: {  	[sflag:s21] =	ssyncset.done $0x0  }
0x35: {  	s31 =	rddreg [dreg:$0xc];
	[sflag:s21] =	ssyncadd.s32 $0xFFFFC000  }
0x36: {  	[spmem:s31] =	stream.linear.scatter [tilespmem:s20], [sflag:$0x3], $0x3C00, $0x38;
	[tilespmem:$0x1FE80] =	vst v63  }
0x37: {  	_ =	swait.ge [sflag:s21], $0x3C00  }
0x38: {  	[sflag:s21] =	ssyncset.done $0x0  }
0x39: {  	s6 =	rddreg [dreg:$0xf];
	[sflag:s21] =	ssyncadd.s32 $0xFFFFC400  }
0x3a: {  	s1 =	simm.s32 @!p0 $0x1C03;
	s5 =	rddreg [dreg:$0x1]  }
0x3b: {  	[spmem:s6], [sflag:s1] =	dma.local @!p0 [hbm:s5], $0xD00  }
0x3c: {  	s1 =	simm.s32 @!p0 $0x3  }
.Ltmp2:
0x3d: {  	_ =	swait.ge @!p0 [sflag:s1], $0xD00;
	(pc) =	sbr.rel .LBB2_2-.Ltmp2, $4  }
0x3e: {  	[sflag:s1] =	ssyncset.done @!p0 $0x0  }
0x3f: {  	[sflag:s1] =	ssyncadd.s32 @!p0 $0xFFFFF300  }
0x40: {  	[bflag:$0x0] =	sbarrier.arrive $0xFFFF  }
0x41: {  	p2 =	por $0x1, $0x1;
	s1 =	simm.s32 $0x0  }
.LBB2_6:
.Ltmp3:
0x42: {  	(pc) =	sbr.rel @!p1 .LBB2_7-.Ltmp3, $2  }
0x43: {  	_ =	sdelay $0x2  }
0x44: {  	s1 =	simm.s32 $0x1;
	p2 =	por $0x0, $0x0  }
.LBB2_2:
0x45: {  	s5 =	smul.u32 $0x50, s1;
	_ =	sdelay $0x1  }
0x46: {  	s29 =	sadd.s32 s11, s5  }
0x47: {  	p3 =	sgt.u32 s29, $0x1387  }
.Ltmp4:
0x48: {  	_ = 	snop;
	(pc) =	sbr.rel @p3 .LBB2_6-.Ltmp4, $2  }
0x49: {  	_ =	sdelay $0x2  }
0x4a: {  	p1 =	por p2, p2  }
0x4b: {  	s1 =	smul.u32 $0x28, s1;
	_ =	sdelay $0x1  }
0x4c: {  	s1 =	sadd.s32 s16, s1  }
0x4d: {  	s1 =	sshll.u32 s1, $0x4  }
0x4e: {  	s6 =	simm.s32 $0x0;
	s5 =	sadd.s32 s2, s1  }
0x4f: {  	[tilespmem:s6], [sflag:$0x3] =	stream.linear.gather [hbm4b:s5+s6], $0x1400, $0x38;
	[tilespmem:$0x1FE80] =	vst v63  }
0x50: {  	_ =	swait.ge [sflag:s21], $0x1400  }
0x51: {  	[sflag:s21] =	ssyncset.done $0x0  }
0x52: {  	s22 =	sadd.s32 s3, s1;
	[sflag:s21] =	ssyncadd.s32 $0xFFFFEC00  }
0x53: {  	[tilespmem:s23], [sflag:$0x3] =	stream.linear.gather [hbm4b:s22+s6], $0x1400, $0x38;
	[tilespmem:$0x1FE80] =	vst v63  }
0x54: {  	_ =	swait.ge [sflag:s21], $0x1400  }
0x55: {  	[sflag:s21] =	ssyncset.done $0x0  }
0x56: {  	s1 =	sadd.s32 s1, s17;
	[sflag:s21] =	ssyncadd.s32 $0xFFFFEC00  }
0x57: {  	[tilespmem:s24], [sflag:$0x3] =	stream.linear.gather [hbm4b:s1+s6], $0x1400, $0x38;
	[tilespmem:$0x1FE80] =	vst v63  }
0x58: {  	_ =	swait.ge [sflag:s21], $0x1400  }
0x59: {  	p2 =	slt.u32 s29, $0x1388;
	s31 =	simm.s32 $0x200;
	[sflag:s21] =	ssyncset.done $0x0  }
0x5a: {  	p5 =	por p2, p2;
	s1 =	sadd.s32 @p2 $0x2, s29;
	[sflag:s21] =	ssyncadd.s32 $0xFFFFEC00  }
0x5b: {  	[tilespmem:s20], [sflag:$0x1] =	stream.indirect.gather [hbm4b:s0+s25], $0x80, s6, s25, $0xb8;
	[tilespmem:$0x1FE80] =	vst v63  }
0x5c: {  	s15 =	sadd.s32 $0x2, s29;
	s5 =	simm.s32 @p5 $0x1;
	p3 =	sgt.u32 @p2 s1, $0x1387  }
0x5d: {  	[tilespmem:s26], [sflag:$0x2] =	stream.indirect.gather [spmem:s7], $0x80, s23, s25, $0xb8;
	[tilespmem:$0x1FE80] =	vst v63  }
0x5e: {  	s30 =	simm.s32 @p2 $0x3;
	p3 =	por p3, p3;
	_ =	swait.ge @p5 [sflag:s5], $0x4000  }
0x5f: {  	s1 =	simm.s32 @p2 $0x3C00;
	p3 =	por p3, !p5;
	[sflag:s5] =	ssyncset.done @p5 $0x0  }
0x60: {  	s6 =	simm.s32 @p5 $0x80;
	[sflag:s5] =	ssyncadd.s32 @p5 $0xFFFFC000;
	s5 =	simm.s32 @p5 $0x2800  }
0x61: {  	[spmem:s4] =	stream.indirect.scatter.add.f32 @p5 [tilespmem:s1], [sflag:$0x3], $0x80, s5, s6, $0xb8;
	[tilespmem:$0x1FE80] =	vst v63  }
0x62: {  	s9 =	simm.s32 @!p3 $0x3C00;
	s12 =	simm.s32 @!p3 $0x80;
	_ =	swait.ge @p5 [sflag:s30], $0x4000  }
0x63: {  	s8 =	simm.s32 @!p3 $0x80;
	s13 =	simm.s32 @!p3 $0x1480;
	[sflag:s30] =	ssyncset.done @p5 $0x0  }
0x64: {  	s14 =	simm.s32 @!p3 $0x7C00;
	s1 =	simm.s32 @p5 $0x2;
	[sflag:s30] =	ssyncadd.s32 @p5 $0xFFFFC000  }
0x65: {  	[tilespmem:s9], [sflag:$0x1] =	stream.indirect.gather @!p3 [hbm4b:s0+s8], $0x80, s12, s8, $0xb8;
	[tilespmem:$0x1FE80] =	vst v63  }
0x66: {  	s12 =	simm.s32 @!p2 $0x1;
	s9 =	simm.s32 @p2 $0x1;
	_ =	swait.ge @p5 [sflag:s1], $0x4000  }
0x67: {  	s12 =	smov.u32 @p2 s9;
	p2 =	slt.u32 s15, $0x1388;
	[sflag:s1] =	ssyncset.done @p5 $0x0  }
0x68: {  	s9 =	sadd.s32 @!p2 $0x1, s12;
	[sflag:s1] =	ssyncadd.s32 @p5 $0xFFFFC000;
	s1 =	simm.s32 @p5 $0x7C00  }
0x69: {  	[spmem:s4] =	stream.indirect.scatter.add.f32 @p5 [tilespmem:s1], [sflag:$0x3], $0x80, s5, s6, $0xb8;
	[tilespmem:$0x1FE80] =	vst v63  }
0x6a: {  	s5 =	simm.s32 $0x400;
	s6 =	simm.s32 @p2 $0x80;
	s1 =	sadd.s32 @p2 $0x2, s15  }
0x6b: {  	p4 =	sgt.u32 @p2 s1, $0x1387;
	s1 =	sadd.s32 @p2 $0x1, s12;
	_ =	swait.ge @p5 [sflag:s30], $0x4000  }
0x6c: {  	s12 =	simm.s32 @p2 $0x3C00;
	s9 =	smov.u32 @p2 s1;
	[sflag:s30] =	ssyncset.done @p5 $0x0  }
0x6d: {  	s1 =	sadd.s32 $0x2, s15;
	[sflag:s30] =	ssyncadd.s32 @p5 $0xFFFFC000;
	s30 =	simm.s32 @p2 $0x3  }
.LBB2_4:
0x6e: {  	[tilespmem:s14], [sflag:$0x2] =	stream.indirect.gather @!p3 [spmem:s7], $0x80, s13, s8, $0xb8;
	[tilespmem:$0x1FE80] =	vst v63  }
0x6f: {  	s14 =	smov.u32 s5  }
0x70: {  	p5 =	por p2, p2;
	p3 =	por p4, p4;
	p2 =	slt.u32 s1, $0x1388  }
0x71: {  	s5 =	sadd.s32 $0x200, s5;
	s8 =	simm.s32 @p5 $0x1;
	s15 =	sshra.s32 @p2 s14, $0x2  }
0x72: {  	s13 =	sadd.s32 @p2 $0x2, s1;
	s18 =	sadd.s32 @!p2 $0x1, s9;
	_ =	swait.ge @p5 [sflag:s8], $0x4000  }
0x73: {  	s6 =	sadd.s32 @p5 $0x2800, s6;
	p4 =	sgt.u32 @p2 s13, $0x1387;
	[sflag:s8] =	ssyncset.done @p5 $0x0  }
0x74: {  	s19 =	simm.s32 @p5 $0x80;
	p3 =	por p3, !p5;
	[sflag:s8] =	ssyncadd.s32 @p5 $0xFFFFC000  }
0x75: {  	[spmem:s4] =	stream.indirect.scatter.add.f32 @p5 [tilespmem:s12], [sflag:$0x3], $0x80, s6, s19, $0xb8;
	[tilespmem:$0x1FE80] =	vst v63  }
0x76: {  	s9 =	sadd.s32 @p2 $0x1, s9;
	s12 =	simm.s32 @p5 $0x2;
	_ =	swait.ge @p5 [sflag:s30], $0x4000  }
0x77: {  	s13 =	sshra.s32 @!p3 s31, $0x2;
	s31 =	simm.s32 @!p3 $0x3C00;
	[sflag:s30] =	ssyncset.done @p5 $0x0  }
0x78: {  	s22 =	sadd.s32 @!p3 $0x80, s13;
	s8 =	simm.s32 @!p3 $0x80;
	[sflag:s30] =	ssyncadd.s32 @p5 $0xFFFFC000  }
0x79: {  	[tilespmem:s31], [sflag:$0x1] =	stream.indirect.gather @!p3 [hbm4b:s0+s8], $0x80, s22, s8, $0xb8;
	[tilespmem:$0x1FE80] =	vst v63  }
0x7a: {  	p6 =	sne.s32 s5, $0x4E00;
	s13 =	sadd.s32 @!p3 $0x1480, s13;
	_ =	swait.ge @p5 [sflag:s12], $0x4000  }
0x7b: {  	s1 =	sadd.s32 $0x2, s1;
	s18 =	smov.u32 @p2 s9;
	[sflag:s12] =	ssyncset.done @p5 $0x0  }
.Ltmp5:
0x7c: {  	s9 =	simm.s32 @p5 $0x7C00;
	[sflag:s12] =	ssyncadd.s32 @p5 $0xFFFFC000;
	(pc) =	sbr.rel @p6 .LBB2_4-.Ltmp5, $4  }
0x7d: {  	[spmem:s4] =	stream.indirect.scatter.add.f32 @p5 [tilespmem:s9], [sflag:$0x3], $0x80, s6, s19, $0xb8;
	[tilespmem:$0x1FE80] =	vst v63  }
0x7e: {  	s31 =	smov.u32 s14;
	s6 =	smov.u32 s15;
	_ =	swait.ge @p5 [sflag:s30], $0x4000  }
0x7f: {  	s14 =	simm.s32 @!p3 $0x7C00;
	s12 =	simm.s32 @p2 $0x3C00;
	[sflag:s30] =	ssyncset.done @p5 $0x0  }
0x80: {  	s9 =	smov.u32 s18;
	[sflag:s30] =	ssyncadd.s32 @p5 $0xFFFFC000;
	s30 =	simm.s32 @p2 $0x3  }
0x81: {  	[tilespmem:s14], [sflag:$0x2] =	stream.indirect.gather @!p3 [spmem:s7], $0x80, s13, s8, $0xb8;
	[tilespmem:$0x1FE80] =	vst v63  }
0x82: {  	p2 =	por p2, p2  }
0x83: {  	s1 =	simm.s32 @p2 $0x1  }
0x84: {  	_ =	swait.ge @p2 [sflag:s1], $0x4000  }
0x85: {  	p6 =	por p4, p4;
	s5 =	simm.s32 @p2 $0x80;
	[sflag:s1] =	ssyncset.done @p2 $0x0  }
0x86: {  	p3 =	por p6, !p2;
	[sflag:s1] =	ssyncadd.s32 @p2 $0xFFFFC000;
	s1 =	sadd.s32 @p2 $0x2800, s6  }
0x87: {  	[spmem:s4] =	stream.indirect.scatter.add.f32 @p2 [tilespmem:s12], [sflag:$0x3], $0x80, s1, s5, $0xb8;
	[tilespmem:$0x1FE80] =	vst v63  }
0x88: {  	s8 =	sshra.s32 @!p3 s31, $0x2;
	_ =	swait.ge @p2 [sflag:s30], $0x4000  }
0x89: {  	s9 =	simm.s32 @!p3 $0x3C00;
	s13 =	simm.s32 @!p3 $0x80;
	[sflag:s30] =	ssyncset.done @p2 $0x0  }
0x8a: {  	s6 =	simm.s32 @p2 $0x2;
	s12 =	sadd.s32 @!p3 $0x80, s8;
	[sflag:s30] =	ssyncadd.s32 @p2 $0xFFFFC000  }
0x8b: {  	[tilespmem:s9], [sflag:$0x1] =	stream.indirect.gather @!p3 [hbm4b:s0+s13], $0x80, s12, s13, $0xb8;
	[tilespmem:$0x1FE80] =	vst v63  }
0x8c: {  	_ =	swait.ge @p2 [sflag:s6], $0x4000  }
0x8d: {  	[sflag:s6] =	ssyncset.done @p2 $0x0  }
0x8e: {  	[sflag:s6] =	ssyncadd.s32 @p2 $0xFFFFC000;
	s6 =	simm.s32 @p2 $0x7C00  }
0x8f: {  	[spmem:s4] =	stream.indirect.scatter.add.f32 @p2 [tilespmem:s6], [sflag:$0x3], $0x80, s1, s5, $0xb8;
	[tilespmem:$0x1FE80] =	vst v63  }
0x90: {  	_ =	swait.ge @p2 [sflag:s30], $0x4000  }
0x91: {  	s1 =	sadd.s32 @!p3 $0x1480, s8;
	[sflag:s30] =	ssyncset.done @p2 $0x0  }
0x92: {  	s5 =	simm.s32 @!p3 $0x7C00;
	[sflag:s30] =	ssyncadd.s32 @p2 $0xFFFFC000;
	p2 =	sgt.u32 s29, $0x133F  }
0x93: {  	[tilespmem:s5], [sflag:$0x2] =	stream.indirect.gather @!p3 [spmem:s7], $0x80, s1, s13, $0xb8;
	[tilespmem:$0x1FE80] =	vst v63  }
0x94: {  	s1 =	simm.s32 @!p2 $0x1  }
0x95: {  	_ =	swait.ge @!p2 [sflag:s1], $0x4000  }
0x96: {  	s5 =	simm.s32 @!p2 $0x3B80;
	[sflag:s1] =	ssyncset.done @!p2 $0x0  }
0x97: {  	s6 =	simm.s32 @!p2 $0x3C00;
	[sflag:s1] =	ssyncadd.s32 @!p2 $0xFFFFC000;
	s1 =	simm.s32 @!p2 $0x80  }
0x98: {  	[spmem:s4] =	stream.indirect.scatter.add.f32 @!p2 [tilespmem:s6], [sflag:$0x3], $0x80, s5, s1, $0xb8;
	[tilespmem:$0x1FE80] =	vst v63  }
0x99: {  	s6 =	simm.s32 @!p2 $0x3  }
0x9a: {  	_ =	swait.ge @!p2 [sflag:s6], $0x4000  }
0x9b: {  	[sflag:s6] =	ssyncset.done @!p2 $0x0  }
0x9c: {  	s8 =	simm.s32 @!p2 $0x2;
	[sflag:s6] =	ssyncadd.s32 @!p2 $0xFFFFC000  }
0x9d: {  	_ =	swait.ge @!p2 [sflag:s8], $0x4000  }
0x9e: {  	[sflag:s8] =	ssyncset.done @!p2 $0x0  }
.Ltmp6:
0x9f: {  	[sflag:s8] =	ssyncadd.s32 @!p2 $0xFFFFC000;
	s8 =	simm.s32 @!p2 $0x7C00;
	(pc) =	sbr.rel .LBB2_6-.Ltmp6, $4  }
0xa0: {  	[spmem:s4] =	stream.indirect.scatter.add.f32 @!p2 [tilespmem:s8], [sflag:$0x3], $0x80, s5, s1, $0xb8;
	[tilespmem:$0x1FE80] =	vst v63  }
0xa1: {  	_ =	swait.ge @!p2 [sflag:s6], $0x4000  }
0xa2: {  	[sflag:s6] =	ssyncset.done @!p2 $0x0  }
0xa3: {  	[sflag:s6] =	ssyncadd.s32 @!p2 $0xFFFFC000  }
.LBB2_8:
0xa4: {  	_ =	sfence.sel $0x180000  }
0xa5: {  	[bflag:$0x0] =	sbarrier.arrive $0xFFFF  }
0xa6: {  	_ =	strace $0x90000047  }
0xa7: {  	[bflag:$0x2] =	sbarrier.arrive $0xFFFF  }
0xa8: {  	s0 =	rddreg [dreg:$0x7]  }
0xa9: {  	s0 =	sadd.s32 @!p0 $0x100000, s0  }
0xaa: {  	[sflag:s0] =	ssyncadd.tile.s32 @!p0 $0x1;
	_ =	shalt  }
.Lfunc_end2:
_tile_overlayer_lowered:
.L_overlay_start_2:
0xab: {  	(tag) =	ssettag $0x2  }
0xac: {  	s0 =	rddreg [dreg:$0x0];
	s2 =	stileid.u32  }
0xad: {  	s1 =	rddreg [dreg:$0x1];
	p0 =	sne.s32 s2, $0x0  }
0xae: {  	s3 =	rddreg [dreg:$0x2];
	[bflag:$0x3] =	sbarrier.arrive $0xFFFF;
	s2 =	simm.s32 @!p0 $0x1C03  }
0xaf: {  	[timem:s3], [sflag:s2] =	dma.local @!p0 [hbm:s0], s1  }
0xb0: {  	s0 =	simm.s32 @!p0 $0x3  }
0xb1: {  	_ =	swait.ge @!p0 [sflag:s0], s1  }
0xb2: {  	s1 =	ssub.s32 @!p0 $0x0, s1;
	[sflag:s0] =	ssyncset.done @!p0 $0x0  }
0xb3: {  	[sflag:s0] =	ssyncadd.s32 @!p0 s1  }
0xb4: {  	[bflag:$0x3] =	sbarrier.arrive $0xFFFF  }
0xb5: {  	_ =	shalt  }

</sc_bundles>
